<compile_context>
chip_gen: v7x
topology: tpu7x:2x2x1
jax: 0.10.2.dev20260603
libtpu: 0.0.44.dev20260713+nightly
codegen_flags: <defaults>
</compile_context>

<pallas_src>
import functools

import jax
import jax.numpy as jnp
from jax import lax
from jax.experimental import pallas as pl
from jax.experimental.pallas import tpu as pltpu
from jax.experimental.pallas import tpu_sc as plsc


@functools.partial(jax.jit, static_argnums=(3, 4, 5))
def _embed(x, token_table, pos_table, B, S, E):
    N = B * S
    info = plsc.get_sparse_core_info()
    NC, NS = info.num_cores, info.num_subcores
    NW = NC * NS
    sp = S // NW
    mesh = plsc.VectorSubcoreMesh(core_axis_name="c", subcore_axis_name="s")

    @functools.partial(
        pl.kernel,
        mesh=mesh,
        out_type=jax.ShapeDtypeStruct((B, S, E), jnp.float32),
        scratch_types=[
            pltpu.VMEM((B * sp,), jnp.int32),
            pltpu.VMEM((sp, E), jnp.float32),
            pltpu.VMEM((B, sp, E), jnp.float32),
            pltpu.SemaphoreType.DMA((B,)),
            pltpu.SemaphoreType.DMA,
            pltpu.SemaphoreType.DMA((B,)),
            pltpu.SemaphoreType.DMA((B,)),
        ],
    )
    def k(x_hbm, tok_hbm, pos_hbm, out_hbm, idx_v, pos_v, buf, si, so, sg, sw):
        wid = lax.axis_index("s") * NC + lax.axis_index("c")
        p0 = wid * sp
        di = [
            pltpu.async_copy(
                x_hbm.at[b, pl.ds(p0, sp)],
                idx_v.at[pl.ds(b * sp, sp)], si.at[b])
            for b in range(B)
        ]
        dp = pltpu.async_copy(pos_hbm.at[pl.ds(p0, sp)], pos_v, so)
        gd = []
        for b in range(B):
            di[b].wait()
            gd.append(pltpu.async_copy(
                tok_hbm.at[idx_v.at[pl.ds(b * sp, sp)]],
                buf.at[b], sg.at[b]))
        dp.wait()
        wd = []
        for b in range(B):
            gd[b].wait()

            def row_add(i, carry, b=b):
                for e in range(E // 16):
                    sl = pl.ds(e * 16, 16)
                    buf[b, i, sl] = buf[b, i, sl] + pos_v[i, sl]
                return carry

            lax.fori_loop(0, sp, row_add, 0)
            wd.append(pltpu.async_copy(
                buf.at[b], out_hbm.at[b, pl.ds(p0, sp)], sw.at[b]))
        for b in range(B):
            wd[b].wait()

    return k(x, token_table, pos_table)


def kernel(x, token_table, pos_table):
    B, S = x.shape
    V, E = token_table.shape
    return _embed(x.astype(jnp.int32), token_table, pos_table, B, S, E)

# --- scband reference (transcript-rebuilt; emitter-appended) ---
"""Pipeline reference for scband-token-and-position-embedding-77970836292026 (READ-ONLY COPY).

The authoritative reference and input builder live on the scoring server;
editing this copy changes nothing except your own understanding.
"""

import jax, jax.numpy as jnp
import numpy as np

VOCAB = 100000
MAX_LEN = 2048
EMB = 128
BATCH = 4
SEQ = 2048


def setup_inputs(seed: int = 0) -> dict:
    key = jax.random.key(seed)
    k1, k2, k3 = jax.random.split(key, 3)
    x = jax.random.randint(k1, (BATCH, SEQ), 0, VOCAB, dtype=jnp.int64 if jax.config.jax_enable_x64 else jnp.int32)
    token_table = jax.random.normal(k2, (VOCAB, EMB), dtype=jnp.float32) * 0.05
    pos_table = jax.random.normal(k3, (MAX_LEN, EMB), dtype=jnp.float32) * 0.05
    return {"x": x, "token_table": token_table, "pos_table": pos_table}


def reference(x, token_table, pos_table):
    # token embedding lookup: gather rows of token_table
    x_tokens = jnp.take(token_table, x, axis=0)          # [B, S, E]
    # position embedding: positions 0..S-1 gathered from pos_table
    seq_len = x.shape[-1]
    positions = jnp.arange(seq_len)
    pos = jnp.take(pos_table, positions, axis=0)         # [S, E]
    return x_tokens + pos[None, :, :]

if __name__ == "__main__":
    import jax
    _d = setup_inputs()
    print(jax.jit(kernel)(*tuple(_d.values())))

</pallas_src>

<mosaic_0001>
#map = affine_map<(d0, d1) -> (0, 0)>
#map1 = affine_map<(d0, d1) -> (0, 0, 0)>
module attributes {stable_mosaic.version = 14 : i64} {
  func.func @k(%arg0: i32, %arg1: i32, %arg2: memref<4x2048xi32, #tpu.memory_space<hbm>>, %arg3: memref<100000x128xf32, #tpu.memory_space<hbm>>, %arg4: memref<2048x128xf32, #tpu.memory_space<hbm>>, %arg5: memref<4x2048x128xf32, #tpu.memory_space<hbm>>, %arg6: memref<256xi32, #tpu.memory_space<vmem>>, %arg7: memref<64x128xf32, #tpu.memory_space<vmem>>, %arg8: memref<4x64x128xf32, #tpu.memory_space<vmem>>, %arg9: memref<4x!tpu.dma_semaphore, #tpu.memory_space<semaphore_mem>>, %arg10: memref<!tpu.dma_semaphore, #tpu.memory_space<semaphore_mem>>, %arg11: memref<4x!tpu.dma_semaphore, #tpu.memory_space<semaphore_mem>>, %arg12: memref<4x!tpu.dma_semaphore, #tpu.memory_space<semaphore_mem>>) attributes {dimension_semantics = [#tpu.dimension_semantics<core_parallel>, #tpu.dimension_semantics<subcore_parallel>], iteration_bounds = array<i64: 2, 16>, scalar_prefetch = 0 : i64, scratch_operands = 7 : i64, tpu.core_type = #tpu.core_type<sc_vector_subcore>, window_params = [{transform_indices = #map}, {transform_indices = #map}, {transform_indices = #map}, {transform_indices = #map1}]} {
    %mul3A = arith.constant 2 : i32
    %mul3A_0 = arith.muli %arg1, %mul3A : i32
    %add3A = arith.addi %mul3A_0, %arg0 : i32
    %mul3A_1 = arith.constant 64 : i32
    %mul3A_2 = arith.muli %add3A, %mul3A_1 : i32
    %dma_start3A = arith.constant 0 : i32
    %dma_start3A_3 = arith.constant 0 : i32
    %dma_start3A_4 = arith.constant 0 : i32
    %dma_start3A_5 = tpu.memref_slice %arg6[%dma_start3A_4] : memref<256xi32, #tpu.memory_space<vmem>> -> memref<64xi32, #tpu.memory_space<vmem>>
    %dma_start3A_6 = tpu.memref_slice %arg2[%dma_start3A, %mul3A_2] : memref<4x2048xi32, #tpu.memory_space<hbm>> -> memref<1x64xi32, #tpu.memory_space<hbm>>
    %dma_start3A_7 = tpu.memref_squeeze %dma_start3A_6 : memref<1x64xi32, #tpu.memory_space<hbm>> -> memref<64xi32, #tpu.memory_space<hbm>>
    %dma_start3A_8 = tpu.memref_slice %arg9[%dma_start3A_3] : memref<4x!tpu.dma_semaphore, #tpu.memory_space<semaphore_mem>> -> memref<1x!tpu.dma_semaphore, #tpu.memory_space<semaphore_mem>>
    %dma_start3A_9 = tpu.memref_squeeze %dma_start3A_8 : memref<1x!tpu.dma_semaphore, #tpu.memory_space<semaphore_mem>> -> memref<!tpu.dma_semaphore, #tpu.memory_space<semaphore_mem>>
    %dma_start3A_10 = arith.constant 0 : i32
    %dma_start3A_11 = tpu.memref_slice %arg6[%dma_start3A_10] : memref<256xi32, #tpu.memory_space<vmem>> -> memref<64xi32, #tpu.memory_space<vmem>>
    %dma_start3A_12 = tpu.memref_slice %arg2[%dma_start3A, %mul3A_2] : memref<4x2048xi32, #tpu.memory_space<hbm>> -> memref<1x64xi32, #tpu.memory_space<hbm>>
    %dma_start3A_13 = tpu.memref_squeeze %dma_start3A_12 : memref<1x64xi32, #tpu.memory_space<hbm>> -> memref<64xi32, #tpu.memory_space<hbm>>
    tpu.enqueue_dma source(%dma_start3A_13 : memref<64xi32, #tpu.memory_space<hbm>>) target(%dma_start3A_11 : memref<64xi32, #tpu.memory_space<vmem>>) target_semaphore(%dma_start3A_9 : memref<!tpu.dma_semaphore, #tpu.memory_space<semaphore_mem>>)
    %dma_start3A_14 = arith.constant 1 : i32
    %dma_start3A_15 = arith.constant 1 : i32
    %dma_start3A_16 = arith.constant 64 : i32
    %dma_start3A_17 = tpu.memref_slice %arg6[%dma_start3A_16] : memref<256xi32, #tpu.memory_space<vmem>> -> memref<64xi32, #tpu.memory_space<vmem>>
    %dma_start3A_18 = tpu.memref_slice %arg2[%dma_start3A_14, %mul3A_2] : memref<4x2048xi32, #tpu.memory_space<hbm>> -> memref<1x64xi32, #tpu.memory_space<hbm>>
    %dma_start3A_19 = tpu.memref_squeeze %dma_start3A_18 : memref<1x64xi32, #tpu.memory_space<hbm>> -> memref<64xi32, #tpu.memory_space<hbm>>
    %dma_start3A_20 = tpu.memref_slice %arg9[%dma_start3A_15] : memref<4x!tpu.dma_semaphore, #tpu.memory_space<semaphore_mem>> -> memref<1x!tpu.dma_semaphore, #tpu.memory_space<semaphore_mem>>
    %dma_start3A_21 = tpu.memref_squeeze %dma_start3A_20 : memref<1x!tpu.dma_semaphore, #tpu.memory_space<semaphore_mem>> -> memref<!tpu.dma_semaphore, #tpu.memory_space<semaphore_mem>>
    %dma_start3A_22 = arith.constant 64 : i32
    %dma_start3A_23 = tpu.memref_slice %arg6[%dma_start3A_22] : memref<256xi32, #tpu.memory_space<vmem>> -> memref<64xi32, #tpu.memory_space<vmem>>
    %dma_start3A_24 = tpu.memref_slice %arg2[%dma_start3A_14, %mul3A_2] : memref<4x2048xi32, #tpu.memory_space<hbm>> -> memref<1x64xi32, #tpu.memory_space<hbm>>
    %dma_start3A_25 = tpu.memref_squeeze %dma_start3A_24 : memref<1x64xi32, #tpu.memory_space<hbm>> -> memref<64xi32, #tpu.memory_space<hbm>>
    tpu.enqueue_dma source(%dma_start3A_25 : memref<64xi32, #tpu.memory_space<hbm>>) target(%dma_start3A_23 : memref<64xi32, #tpu.memory_space<vmem>>) target_semaphore(%dma_start3A_21 : memref<!tpu.dma_semaphore, #tpu.memory_space<semaphore_mem>>)
    %dma_start3A_26 = arith.constant 2 : i32
    %dma_start3A_27 = arith.constant 2 : i32
    %dma_start3A_28 = arith.constant 128 : i32
    %dma_start3A_29 = tpu.memref_slice %arg6[%dma_start3A_28] : memref<256xi32, #tpu.memory_space<vmem>> -> memref<64xi32, #tpu.memory_space<vmem>>
    %dma_start3A_30 = tpu.memref_slice %arg2[%dma_start3A_26, %mul3A_2] : memref<4x2048xi32, #tpu.memory_space<hbm>> -> memref<1x64xi32, #tpu.memory_space<hbm>>
    %dma_start3A_31 = tpu.memref_squeeze %dma_start3A_30 : memref<1x64xi32, #tpu.memory_space<hbm>> -> memref<64xi32, #tpu.memory_space<hbm>>
    %dma_start3A_32 = tpu.memref_slice %arg9[%dma_start3A_27] : memref<4x!tpu.dma_semaphore, #tpu.memory_space<semaphore_mem>> -> memref<1x!tpu.dma_semaphore, #tpu.memory_space<semaphore_mem>>
    %dma_start3A_33 = tpu.memref_squeeze %dma_start3A_32 : memref<1x!tpu.dma_semaphore, #tpu.memory_space<semaphore_mem>> -> memref<!tpu.dma_semaphore, #tpu.memory_space<semaphore_mem>>
    %dma_start3A_34 = arith.constant 128 : i32
    %dma_start3A_35 = tpu.memref_slice %arg6[%dma_start3A_34] : memref<256xi32, #tpu.memory_space<vmem>> -> memref<64xi32, #tpu.memory_space<vmem>>
    %dma_start3A_36 = tpu.memref_slice %arg2[%dma_start3A_26, %mul3A_2] : memref<4x2048xi32, #tpu.memory_space<hbm>> -> memref<1x64xi32, #tpu.memory_space<hbm>>
    %dma_start3A_37 = tpu.memref_squeeze %dma_start3A_36 : memref<1x64xi32, #tpu.memory_space<hbm>> -> memref<64xi32, #tpu.memory_space<hbm>>
    tpu.enqueue_dma source(%dma_start3A_37 : memref<64xi32, #tpu.memory_space<hbm>>) target(%dma_start3A_35 : memref<64xi32, #tpu.memory_space<vmem>>) target_semaphore(%dma_start3A_33 : memref<!tpu.dma_semaphore, #tpu.memory_space<semaphore_mem>>)
    %dma_start3A_38 = arith.constant 3 : i32
    %dma_start3A_39 = arith.constant 3 : i32
    %dma_start3A_40 = arith.constant 192 : i32
    %dma_start3A_41 = tpu.memref_slice %arg6[%dma_start3A_40] : memref<256xi32, #tpu.memory_space<vmem>> -> memref<64xi32, #tpu.memory_space<vmem>>
    %dma_start3A_42 = tpu.memref_slice %arg2[%dma_start3A_38, %mul3A_2] : memref<4x2048xi32, #tpu.memory_space<hbm>> -> memref<1x64xi32, #tpu.memory_space<hbm>>
    %dma_start3A_43 = tpu.memref_squeeze %dma_start3A_42 : memref<1x64xi32, #tpu.memory_space<hbm>> -> memref<64xi32, #tpu.memory_space<hbm>>
    %dma_start3A_44 = tpu.memref_slice %arg9[%dma_start3A_39] : memref<4x!tpu.dma_semaphore, #tpu.memory_space<semaphore_mem>> -> memref<1x!tpu.dma_semaphore, #tpu.memory_space<semaphore_mem>>
    %dma_start3A_45 = tpu.memref_squeeze %dma_start3A_44 : memref<1x!tpu.dma_semaphore, #tpu.memory_space<semaphore_mem>> -> memref<!tpu.dma_semaphore, #tpu.memory_space<semaphore_mem>>
    %dma_start3A_46 = arith.constant 192 : i32
    %dma_start3A_47 = tpu.memref_slice %arg6[%dma_start3A_46] : memref<256xi32, #tpu.memory_space<vmem>> -> memref<64xi32, #tpu.memory_space<vmem>>
    %dma_start3A_48 = tpu.memref_slice %arg2[%dma_start3A_38, %mul3A_2] : memref<4x2048xi32, #tpu.memory_space<hbm>> -> memref<1x64xi32, #tpu.memory_space<hbm>>
    %dma_start3A_49 = tpu.memref_squeeze %dma_start3A_48 : memref<1x64xi32, #tpu.memory_space<hbm>> -> memref<64xi32, #tpu.memory_space<hbm>>
    tpu.enqueue_dma source(%dma_start3A_49 : memref<64xi32, #tpu.memory_space<hbm>>) target(%dma_start3A_47 : memref<64xi32, #tpu.memory_space<vmem>>) target_semaphore(%dma_start3A_45 : memref<!tpu.dma_semaphore, #tpu.memory_space<semaphore_mem>>)
    %dma_start3A_50 = arith.constant 0 : i32
    %dma_start3A_51 = tpu.memref_slice %arg4[%mul3A_2, %dma_start3A_50] : memref<2048x128xf32, #tpu.memory_space<hbm>> -> memref<64x128xf32, #tpu.memory_space<hbm>>
    %dma_start3A_52 = arith.constant 0 : i32
    %dma_start3A_53 = tpu.memref_slice %arg4[%mul3A_2, %dma_start3A_52] : memref<2048x128xf32, #tpu.memory_space<hbm>> -> memref<64x128xf32, #tpu.memory_space<hbm>>
    tpu.enqueue_dma source(%dma_start3A_53 : memref<64x128xf32, #tpu.memory_space<hbm>>) target(%arg7 : memref<64x128xf32, #tpu.memory_space<vmem>>) target_semaphore(%arg10 : memref<!tpu.dma_semaphore, #tpu.memory_space<semaphore_mem>>)
    %dma_wait3A = arith.constant 0 : i32
    %dma_wait3A_54 = arith.constant 0 : i32
    %dma_wait3A_55 = arith.constant 0 : i32
    %dma_wait3A_56 = tpu.memref_slice %arg6[%dma_wait3A_55] : memref<256xi32, #tpu.memory_space<vmem>> -> memref<64xi32, #tpu.memory_space<vmem>>
    %dma_wait3A_57 = tpu.memref_slice %arg2[%dma_wait3A, %mul3A_2] : memref<4x2048xi32, #tpu.memory_space<hbm>> -> memref<1x64xi32, #tpu.memory_space<hbm>>
    %dma_wait3A_58 = tpu.memref_squeeze %dma_wait3A_57 : memref<1x64xi32, #tpu.memory_space<hbm>> -> memref<64xi32, #tpu.memory_space<hbm>>
    %dma_wait3A_59 = tpu.memref_slice %arg9[%dma_wait3A_54] : memref<4x!tpu.dma_semaphore, #tpu.memory_space<semaphore_mem>> -> memref<1x!tpu.dma_semaphore, #tpu.memory_space<semaphore_mem>>
    %dma_wait3A_60 = tpu.memref_squeeze %dma_wait3A_59 : memref<1x!tpu.dma_semaphore, #tpu.memory_space<semaphore_mem>> -> memref<!tpu.dma_semaphore, #tpu.memory_space<semaphore_mem>>
    %dma_wait3A_61 = arith.constant 0 : i32
    %dma_wait3A_62 = tpu.memref_slice %arg6[%dma_wait3A_61] : memref<256xi32, #tpu.memory_space<vmem>> -> memref<64xi32, #tpu.memory_space<vmem>>
    %dma_wait3A_63 = tpu.memref_slice %arg2[%dma_wait3A, %mul3A_2] : memref<4x2048xi32, #tpu.memory_space<hbm>> -> memref<1x64xi32, #tpu.memory_space<hbm>>
    %dma_wait3A_64 = tpu.memref_squeeze %dma_wait3A_63 : memref<1x64xi32, #tpu.memory_space<hbm>> -> memref<64xi32, #tpu.memory_space<hbm>>
    tpu.wait_dma2 semaphore(%dma_wait3A_60 : memref<!tpu.dma_semaphore, #tpu.memory_space<semaphore_mem>>) src(%dma_wait3A_64 : memref<64xi32, #tpu.memory_space<hbm>>) dst(%dma_wait3A_62 : memref<64xi32, #tpu.memory_space<vmem>>)
    %dma_start3A_65 = arith.constant 0 : i32
    %dma_start3A_66 = arith.constant 0 : i32
    %dma_start3A_67 = arith.constant 0 : i32
    %dma_start3A_68 = arith.constant 0 : i32
    %dma_start3A_69 = tpu.memref_slice %arg8[%dma_start3A_65, %dma_start3A_67, %dma_start3A_68] : memref<4x64x128xf32, #tpu.memory_space<vmem>> -> memref<1x64x128xf32, #tpu.memory_space<vmem>>
    %dma_start3A_70 = tpu.memref_squeeze %dma_start3A_69 : memref<1x64x128xf32, #tpu.memory_space<vmem>> -> memref<64x128xf32, #tpu.memory_space<vmem>>
    %dma_start3A_71 = arith.constant 0 : i32
    %dma_start3A_72 = tpu.memref_slice %arg6[%dma_start3A_71] : memref<256xi32, #tpu.memory_space<vmem>> -> memref<64xi32, #tpu.memory_space<vmem>>
    %dma_start3A_73 = arith.constant 0 : i32
    %dma_start3A_74 = arith.constant 0 : i32
    %dma_start3A_75 = tpu.memref_slice %arg3[%dma_start3A_73, %dma_start3A_74] : memref<100000x128xf32, #tpu.memory_space<hbm>> -> memref<100000x128xf32, #tpu.memory_space<hbm>>
    %dma_start3A_76 = tpu.memref_slice %arg11[%dma_start3A_66] : memref<4x!tpu.dma_semaphore, #tpu.memory_space<semaphore_mem>> -> memref<1x!tpu.dma_semaphore, #tpu.memory_space<semaphore_mem>>
    %dma_start3A_77 = tpu.memref_squeeze %dma_start3A_76 : memref<1x!tpu.dma_semaphore, #tpu.memory_space<semaphore_mem>> -> memref<!tpu.dma_semaphore, #tpu.memory_space<semaphore_mem>>
    tpu.enqueue_indirect_dma source(%dma_start3A_75 : memref<100000x128xf32, #tpu.memory_space<hbm>>) target(%dma_start3A_70 : memref<64x128xf32, #tpu.memory_space<vmem>>) offsets(%dma_start3A_72 : memref<64xi32, #tpu.memory_space<vmem>>) semaphore(%dma_start3A_77 : memref<!tpu.dma_semaphore, #tpu.memory_space<semaphore_mem>>)
    %dma_wait3A_78 = arith.constant 1 : i32
    %dma_wait3A_79 = arith.constant 1 : i32
    %dma_wait3A_80 = arith.constant 64 : i32
    %dma_wait3A_81 = tpu.memref_slice %arg6[%dma_wait3A_80] : memref<256xi32, #tpu.memory_space<vmem>> -> memref<64xi32, #tpu.memory_space<vmem>>
    %dma_wait3A_82 = tpu.memref_slice %arg2[%dma_wait3A_78, %mul3A_2] : memref<4x2048xi32, #tpu.memory_space<hbm>> -> memref<1x64xi32, #tpu.memory_space<hbm>>
    %dma_wait3A_83 = tpu.memref_squeeze %dma_wait3A_82 : memref<1x64xi32, #tpu.memory_space<hbm>> -> memref<64xi32, #tpu.memory_space<hbm>>
    %dma_wait3A_84 = tpu.memref_slice %arg9[%dma_wait3A_79] : memref<4x!tpu.dma_semaphore, #tpu.memory_space<semaphore_mem>> -> memref<1x!tpu.dma_semaphore, #tpu.memory_space<semaphore_mem>>
    %dma_wait3A_85 = tpu.memref_squeeze %dma_wait3A_84 : memref<1x!tpu.dma_semaphore, #tpu.memory_space<semaphore_mem>> -> memref<!tpu.dma_semaphore, #tpu.memory_space<semaphore_mem>>
    %dma_wait3A_86 = arith.constant 64 : i32
    %dma_wait3A_87 = tpu.memref_slice %arg6[%dma_wait3A_86] : memref<256xi32, #tpu.memory_space<vmem>> -> memref<64xi32, #tpu.memory_space<vmem>>
    %dma_wait3A_88 = tpu.memref_slice %arg2[%dma_wait3A_78, %mul3A_2] : memref<4x2048xi32, #tpu.memory_space<hbm>> -> memref<1x64xi32, #tpu.memory_space<hbm>>
    %dma_wait3A_89 = tpu.memref_squeeze %dma_wait3A_88 : memref<1x64xi32, #tpu.memory_space<hbm>> -> memref<64xi32, #tpu.memory_space<hbm>>
    tpu.wait_dma2 semaphore(%dma_wait3A_85 : memref<!tpu.dma_semaphore, #tpu.memory_space<semaphore_mem>>) src(%dma_wait3A_89 : memref<64xi32, #tpu.memory_space<hbm>>) dst(%dma_wait3A_87 : memref<64xi32, #tpu.memory_space<vmem>>)
    %dma_start3A_90 = arith.constant 1 : i32
    %dma_start3A_91 = arith.constant 1 : i32
    %dma_start3A_92 = arith.constant 0 : i32
    %dma_start3A_93 = arith.constant 0 : i32
    %dma_start3A_94 = tpu.memref_slice %arg8[%dma_start3A_90, %dma_start3A_92, %dma_start3A_93] : memref<4x64x128xf32, #tpu.memory_space<vmem>> -> memref<1x64x128xf32, #tpu.memory_space<vmem>>
    %dma_start3A_95 = tpu.memref_squeeze %dma_start3A_94 : memref<1x64x128xf32, #tpu.memory_space<vmem>> -> memref<64x128xf32, #tpu.memory_space<vmem>>
    %dma_start3A_96 = arith.constant 64 : i32
    %dma_start3A_97 = tpu.memref_slice %arg6[%dma_start3A_96] : memref<256xi32, #tpu.memory_space<vmem>> -> memref<64xi32, #tpu.memory_space<vmem>>
    %dma_start3A_98 = arith.constant 0 : i32
    %dma_start3A_99 = arith.constant 0 : i32
    %dma_start3A_100 = tpu.memref_slice %arg3[%dma_start3A_98, %dma_start3A_99] : memref<100000x128xf32, #tpu.memory_space<hbm>> -> memref<100000x128xf32, #tpu.memory_space<hbm>>
    %dma_start3A_101 = tpu.memref_slice %arg11[%dma_start3A_91] : memref<4x!tpu.dma_semaphore, #tpu.memory_space<semaphore_mem>> -> memref<1x!tpu.dma_semaphore, #tpu.memory_space<semaphore_mem>>
    %dma_start3A_102 = tpu.memref_squeeze %dma_start3A_101 : memref<1x!tpu.dma_semaphore, #tpu.memory_space<semaphore_mem>> -> memref<!tpu.dma_semaphore, #tpu.memory_space<semaphore_mem>>
    tpu.enqueue_indirect_dma source(%dma_start3A_100 : memref<100000x128xf32, #tpu.memory_space<hbm>>) target(%dma_start3A_95 : memref<64x128xf32, #tpu.memory_space<vmem>>) offsets(%dma_start3A_97 : memref<64xi32, #tpu.memory_space<vmem>>) semaphore(%dma_start3A_102 : memref<!tpu.dma_semaphore, #tpu.memory_space<semaphore_mem>>)
    %dma_wait3A_103 = arith.constant 2 : i32
    %dma_wait3A_104 = arith.constant 2 : i32
    %dma_wait3A_105 = arith.constant 128 : i32
    %dma_wait3A_106 = tpu.memref_slice %arg6[%dma_wait3A_105] : memref<256xi32, #tpu.memory_space<vmem>> -> memref<64xi32, #tpu.memory_space<vmem>>
    %dma_wait3A_107 = tpu.memref_slice %arg2[%dma_wait3A_103, %mul3A_2] : memref<4x2048xi32, #tpu.memory_space<hbm>> -> memref<1x64xi32, #tpu.memory_space<hbm>>
    %dma_wait3A_108 = tpu.memref_squeeze %dma_wait3A_107 : memref<1x64xi32, #tpu.memory_space<hbm>> -> memref<64xi32, #tpu.memory_space<hbm>>
    %dma_wait3A_109 = tpu.memref_slice %arg9[%dma_wait3A_104] : memref<4x!tpu.dma_semaphore, #tpu.memory_space<semaphore_mem>> -> memref<1x!tpu.dma_semaphore, #tpu.memory_space<semaphore_mem>>
    %dma_wait3A_110 = tpu.memref_squeeze %dma_wait3A_109 : memref<1x!tpu.dma_semaphore, #tpu.memory_space<semaphore_mem>> -> memref<!tpu.dma_semaphore, #tpu.memory_space<semaphore_mem>>
    %dma_wait3A_111 = arith.constant 128 : i32
    %dma_wait3A_112 = tpu.memref_slice %arg6[%dma_wait3A_111] : memref<256xi32, #tpu.memory_space<vmem>> -> memref<64xi32, #tpu.memory_space<vmem>>
    %dma_wait3A_113 = tpu.memref_slice %arg2[%dma_wait3A_103, %mul3A_2] : memref<4x2048xi32, #tpu.memory_space<hbm>> -> memref<1x64xi32, #tpu.memory_space<hbm>>
    %dma_wait3A_114 = tpu.memref_squeeze %dma_wait3A_113 : memref<1x64xi32, #tpu.memory_space<hbm>> -> memref<64xi32, #tpu.memory_space<hbm>>
    tpu.wait_dma2 semaphore(%dma_wait3A_110 : memref<!tpu.dma_semaphore, #tpu.memory_space<semaphore_mem>>) src(%dma_wait3A_114 : memref<64xi32, #tpu.memory_space<hbm>>) dst(%dma_wait3A_112 : memref<64xi32, #tpu.memory_space<vmem>>)
    %dma_start3A_115 = arith.constant 2 : i32
    %dma_start3A_116 = arith.constant 2 : i32
    %dma_start3A_117 = arith.constant 0 : i32
    %dma_start3A_118 = arith.constant 0 : i32
    %dma_start3A_119 = tpu.memref_slice %arg8[%dma_start3A_115, %dma_start3A_117, %dma_start3A_118] : memref<4x64x128xf32, #tpu.memory_space<vmem>> -> memref<1x64x128xf32, #tpu.memory_space<vmem>>
    %dma_start3A_120 = tpu.memref_squeeze %dma_start3A_119 : memref<1x64x128xf32, #tpu.memory_space<vmem>> -> memref<64x128xf32, #tpu.memory_space<vmem>>
    %dma_start3A_121 = arith.constant 128 : i32
    %dma_start3A_122 = tpu.memref_slice %arg6[%dma_start3A_121] : memref<256xi32, #tpu.memory_space<vmem>> -> memref<64xi32, #tpu.memory_space<vmem>>
    %dma_start3A_123 = arith.constant 0 : i32
    %dma_start3A_124 = arith.constant 0 : i32
    %dma_start3A_125 = tpu.memref_slice %arg3[%dma_start3A_123, %dma_start3A_124] : memref<100000x128xf32, #tpu.memory_space<hbm>> -> memref<100000x128xf32, #tpu.memory_space<hbm>>
    %dma_start3A_126 = tpu.memref_slice %arg11[%dma_start3A_116] : memref<4x!tpu.dma_semaphore, #tpu.memory_space<semaphore_mem>> -> memref<1x!tpu.dma_semaphore, #tpu.memory_space<semaphore_mem>>
    %dma_start3A_127 = tpu.memref_squeeze %dma_start3A_126 : memref<1x!tpu.dma_semaphore, #tpu.memory_space<semaphore_mem>> -> memref<!tpu.dma_semaphore, #tpu.memory_space<semaphore_mem>>
    tpu.enqueue_indirect_dma source(%dma_start3A_125 : memref<100000x128xf32, #tpu.memory_space<hbm>>) target(%dma_start3A_120 : memref<64x128xf32, #tpu.memory_space<vmem>>) offsets(%dma_start3A_122 : memref<64xi32, #tpu.memory_space<vmem>>) semaphore(%dma_start3A_127 : memref<!tpu.dma_semaphore, #tpu.memory_space<semaphore_mem>>)
    %dma_wait3A_128 = arith.constant 3 : i32
    %dma_wait3A_129 = arith.constant 3 : i32
    %dma_wait3A_130 = arith.constant 192 : i32
    %dma_wait3A_131 = tpu.memref_slice %arg6[%dma_wait3A_130] : memref<256xi32, #tpu.memory_space<vmem>> -> memref<64xi32, #tpu.memory_space<vmem>>
    %dma_wait3A_132 = tpu.memref_slice %arg2[%dma_wait3A_128, %mul3A_2] : memref<4x2048xi32, #tpu.memory_space<hbm>> -> memref<1x64xi32, #tpu.memory_space<hbm>>
    %dma_wait3A_133 = tpu.memref_squeeze %dma_wait3A_132 : memref<1x64xi32, #tpu.memory_space<hbm>> -> memref<64xi32, #tpu.memory_space<hbm>>
    %dma_wait3A_134 = tpu.memref_slice %arg9[%dma_wait3A_129] : memref<4x!tpu.dma_semaphore, #tpu.memory_space<semaphore_mem>> -> memref<1x!tpu.dma_semaphore, #tpu.memory_space<semaphore_mem>>
    %dma_wait3A_135 = tpu.memref_squeeze %dma_wait3A_134 : memref<1x!tpu.dma_semaphore, #tpu.memory_space<semaphore_mem>> -> memref<!tpu.dma_semaphore, #tpu.memory_space<semaphore_mem>>
    %dma_wait3A_136 = arith.constant 192 : i32
    %dma_wait3A_137 = tpu.memref_slice %arg6[%dma_wait3A_136] : memref<256xi32, #tpu.memory_space<vmem>> -> memref<64xi32, #tpu.memory_space<vmem>>
    %dma_wait3A_138 = tpu.memref_slice %arg2[%dma_wait3A_128, %mul3A_2] : memref<4x2048xi32, #tpu.memory_space<hbm>> -> memref<1x64xi32, #tpu.memory_space<hbm>>
    %dma_wait3A_139 = tpu.memref_squeeze %dma_wait3A_138 : memref<1x64xi32, #tpu.memory_space<hbm>> -> memref<64xi32, #tpu.memory_space<hbm>>
    tpu.wait_dma2 semaphore(%dma_wait3A_135 : memref<!tpu.dma_semaphore, #tpu.memory_space<semaphore_mem>>) src(%dma_wait3A_139 : memref<64xi32, #tpu.memory_space<hbm>>) dst(%dma_wait3A_137 : memref<64xi32, #tpu.memory_space<vmem>>)
    %dma_start3A_140 = arith.constant 3 : i32
    %dma_start3A_141 = arith.constant 3 : i32
    %dma_start3A_142 = arith.constant 0 : i32
    %dma_start3A_143 = arith.constant 0 : i32
    %dma_start3A_144 = tpu.memref_slice %arg8[%dma_start3A_140, %dma_start3A_142, %dma_start3A_143] : memref<4x64x128xf32, #tpu.memory_space<vmem>> -> memref<1x64x128xf32, #tpu.memory_space<vmem>>
    %dma_start3A_145 = tpu.memref_squeeze %dma_start3A_144 : memref<1x64x128xf32, #tpu.memory_space<vmem>> -> memref<64x128xf32, #tpu.memory_space<vmem>>
    %dma_start3A_146 = arith.constant 192 : i32
    %dma_start3A_147 = tpu.memref_slice %arg6[%dma_start3A_146] : memref<256xi32, #tpu.memory_space<vmem>> -> memref<64xi32, #tpu.memory_space<vmem>>
    %dma_start3A_148 = arith.constant 0 : i32
    %dma_start3A_149 = arith.constant 0 : i32
    %dma_start3A_150 = tpu.memref_slice %arg3[%dma_start3A_148, %dma_start3A_149] : memref<100000x128xf32, #tpu.memory_space<hbm>> -> memref<100000x128xf32, #tpu.memory_space<hbm>>
    %dma_start3A_151 = tpu.memref_slice %arg11[%dma_start3A_141] : memref<4x!tpu.dma_semaphore, #tpu.memory_space<semaphore_mem>> -> memref<1x!tpu.dma_semaphore, #tpu.memory_space<semaphore_mem>>
    %dma_start3A_152 = tpu.memref_squeeze %dma_start3A_151 : memref<1x!tpu.dma_semaphore, #tpu.memory_space<semaphore_mem>> -> memref<!tpu.dma_semaphore, #tpu.memory_space<semaphore_mem>>
    tpu.enqueue_indirect_dma source(%dma_start3A_150 : memref<100000x128xf32, #tpu.memory_space<hbm>>) target(%dma_start3A_145 : memref<64x128xf32, #tpu.memory_space<vmem>>) offsets(%dma_start3A_147 : memref<64xi32, #tpu.memory_space<vmem>>) semaphore(%dma_start3A_152 : memref<!tpu.dma_semaphore, #tpu.memory_space<semaphore_mem>>)
    %dma_wait3A_153 = arith.constant 0 : i32
    %dma_wait3A_154 = tpu.memref_slice %arg4[%mul3A_2, %dma_wait3A_153] : memref<2048x128xf32, #tpu.memory_space<hbm>> -> memref<64x128xf32, #tpu.memory_space<hbm>>
    %dma_wait3A_155 = arith.constant 0 : i32
    %dma_wait3A_156 = tpu.memref_slice %arg4[%mul3A_2, %dma_wait3A_155] : memref<2048x128xf32, #tpu.memory_space<hbm>> -> memref<64x128xf32, #tpu.memory_space<hbm>>
    tpu.wait_dma2 semaphore(%arg10 : memref<!tpu.dma_semaphore, #tpu.memory_space<semaphore_mem>>) src(%dma_wait3A_156 : memref<64x128xf32, #tpu.memory_space<hbm>>) dst(%arg7 : memref<64x128xf32, #tpu.memory_space<vmem>>)
    %dma_wait3A_157 = arith.constant 0 : i32
    %dma_wait3A_158 = arith.constant 0 : i32
    %dma_wait3A_159 = arith.constant 0 : i32
    %dma_wait3A_160 = arith.constant 0 : i32
    %dma_wait3A_161 = tpu.memref_slice %arg8[%dma_wait3A_157, %dma_wait3A_159, %dma_wait3A_160] : memref<4x64x128xf32, #tpu.memory_space<vmem>> -> memref<1x64x128xf32, #tpu.memory_space<vmem>>
    %dma_wait3A_162 = tpu.memref_squeeze %dma_wait3A_161 : memref<1x64x128xf32, #tpu.memory_space<vmem>> -> memref<64x128xf32, #tpu.memory_space<vmem>>
    %dma_wait3A_163 = arith.constant 0 : i32
    %dma_wait3A_164 = tpu.memref_slice %arg6[%dma_wait3A_163] : memref<256xi32, #tpu.memory_space<vmem>> -> memref<64xi32, #tpu.memory_space<vmem>>
    %dma_wait3A_165 = arith.constant 0 : i32
    %dma_wait3A_166 = arith.constant 0 : i32
    %dma_wait3A_167 = tpu.memref_slice %arg3[%dma_wait3A_165, %dma_wait3A_166] : memref<100000x128xf32, #tpu.memory_space<hbm>> -> memref<100000x128xf32, #tpu.memory_space<hbm>>
    %dma_wait3A_168 = tpu.memref_slice %arg11[%dma_wait3A_158] : memref<4x!tpu.dma_semaphore, #tpu.memory_space<semaphore_mem>> -> memref<1x!tpu.dma_semaphore, #tpu.memory_space<semaphore_mem>>
    %dma_wait3A_169 = tpu.memref_squeeze %dma_wait3A_168 : memref<1x!tpu.dma_semaphore, #tpu.memory_space<semaphore_mem>> -> memref<!tpu.dma_semaphore, #tpu.memory_space<semaphore_mem>>
    tpu.wait_indirect_dma semaphore(%dma_wait3A_169 : memref<!tpu.dma_semaphore, #tpu.memory_space<semaphore_mem>>) src(%dma_wait3A_167 : memref<100000x128xf32, #tpu.memory_space<hbm>>) dst(%dma_wait3A_162 : memref<64x128xf32, #tpu.memory_space<vmem>>)
    %scan3A = arith.constant 0 : i32
    %scan3A_170 = arith.constant 0 : i32
    %scan3A_171 = arith.constant 64 : i32
    %scan3A_172 = arith.addi %scan3A_170, %scan3A_171 : i32
    %scan3A_173 = arith.constant 1 : i32
    scf.for %scan3A_384 = %scan3A_170 to %scan3A_172 step %scan3A_173  : i32 {
      %get3A = arith.constant 0 : i32
      %get3A_385 = arith.index_cast %get3A : i32 to index
      %get3A_386 = arith.index_cast %scan3A_384 : i32 to index
      %get3A_387 = arith.constant 0 : index
      %get3A_388 = tpu.vector_load %arg8[%get3A_385, %get3A_386, %get3A_387] {strides = array<i32>} : memref<4x64x128xf32, #tpu.memory_space<vmem>>, vector<1x1x16xf32>,
      %get3A_389 = vector.shape_cast %get3A_388 : vector<1x1x16xf32> to vector<16xf32>
      %get3A_390 = arith.index_cast %scan3A_384 : i32 to index
      %get3A_391 = arith.constant 0 : index
      %get3A_392 = tpu.vector_load %arg7[%get3A_390, %get3A_391] {strides = array<i32>} : memref<64x128xf32, #tpu.memory_space<vmem>>, vector<1x16xf32>,
      %get3A_393 = vector.shape_cast %get3A_392 : vector<1x16xf32> to vector<16xf32>
      %add3A_394 = arith.addf %get3A_389, %get3A_393 : vector<16xf32>
      %swap3A = arith.constant 0 : i32
      %swap3A_395 = arith.index_cast %swap3A : i32 to index
      %swap3A_396 = arith.index_cast %scan3A_384 : i32 to index
      %swap3A_397 = arith.constant 0 : index
      %swap3A_398 = tpu.vector_load %arg8[%swap3A_395, %swap3A_396, %swap3A_397] {strides = array<i32>} : memref<4x64x128xf32, #tpu.memory_space<vmem>>, vector<1x1x16xf32>,
      %swap3A_399 = vector.shape_cast %swap3A_398 : vector<1x1x16xf32> to vector<16xf32>
      %swap3A_400 = vector.shape_cast %add3A_394 : vector<16xf32> to vector<1x1x16xf32>
      tpu.vector_store %arg8[%swap3A_395, %swap3A_396, %swap3A_397], %swap3A_400 {strides = array<i32>} : memref<4x64x128xf32, #tpu.memory_space<vmem>>, vector<1x1x16xf32>,
      %get3A_401 = arith.constant 0 : i32
      %get3A_402 = arith.index_cast %get3A_401 : i32 to index
      %get3A_403 = arith.index_cast %scan3A_384 : i32 to index
      %get3A_404 = arith.constant 16 : index
      %get3A_405 = tpu.vector_load %arg8[%get3A_402, %get3A_403, %get3A_404] {strides = array<i32>} : memref<4x64x128xf32, #tpu.memory_space<vmem>>, vector<1x1x16xf32>,
      %get3A_406 = vector.shape_cast %get3A_405 : vector<1x1x16xf32> to vector<16xf32>
      %get3A_407 = arith.index_cast %scan3A_384 : i32 to index
      %get3A_408 = arith.constant 16 : index
      %get3A_409 = tpu.vector_load %arg7[%get3A_407, %get3A_408] {strides = array<i32>} : memref<64x128xf32, #tpu.memory_space<vmem>>, vector<1x16xf32>,
      %get3A_410 = vector.shape_cast %get3A_409 : vector<1x16xf32> to vector<16xf32>
      %add3A_411 = arith.addf %get3A_406, %get3A_410 : vector<16xf32>
      %swap3A_412 = arith.constant 0 : i32
      %swap3A_413 = arith.index_cast %swap3A_412 : i32 to index
      %swap3A_414 = arith.index_cast %scan3A_384 : i32 to index
      %swap3A_415 = arith.constant 16 : index
      %swap3A_416 = tpu.vector_load %arg8[%swap3A_413, %swap3A_414, %swap3A_415] {strides = array<i32>} : memref<4x64x128xf32, #tpu.memory_space<vmem>>, vector<1x1x16xf32>,
      %swap3A_417 = vector.shape_cast %swap3A_416 : vector<1x1x16xf32> to vector<16xf32>
      %swap3A_418 = vector.shape_cast %add3A_411 : vector<16xf32> to vector<1x1x16xf32>
      tpu.vector_store %arg8[%swap3A_413, %swap3A_414, %swap3A_415], %swap3A_418 {strides = array<i32>} : memref<4x64x128xf32, #tpu.memory_space<vmem>>, vector<1x1x16xf32>,
      %get3A_419 = arith.constant 0 : i32
      %get3A_420 = arith.index_cast %get3A_419 : i32 to index
      %get3A_421 = arith.index_cast %scan3A_384 : i32 to index
      %get3A_422 = arith.constant 32 : index
      %get3A_423 = tpu.vector_load %arg8[%get3A_420, %get3A_421, %get3A_422] {strides = array<i32>} : memref<4x64x128xf32, #tpu.memory_space<vmem>>, vector<1x1x16xf32>,
      %get3A_424 = vector.shape_cast %get3A_423 : vector<1x1x16xf32> to vector<16xf32>
      %get3A_425 = arith.index_cast %scan3A_384 : i32 to index
      %get3A_426 = arith.constant 32 : index
      %get3A_427 = tpu.vector_load %arg7[%get3A_425, %get3A_426] {strides = array<i32>} : memref<64x128xf32, #tpu.memory_space<vmem>>, vector<1x16xf32>,
      %get3A_428 = vector.shape_cast %get3A_427 : vector<1x16xf32> to vector<16xf32>
      %add3A_429 = arith.addf %get3A_424, %get3A_428 : vector<16xf32>
      %swap3A_430 = arith.constant 0 : i32
      %swap3A_431 = arith.index_cast %swap3A_430 : i32 to index
      %swap3A_432 = arith.index_cast %scan3A_384 : i32 to index
      %swap3A_433 = arith.constant 32 : index
      %swap3A_434 = tpu.vector_load %arg8[%swap3A_431, %swap3A_432, %swap3A_433] {strides = array<i32>} : memref<4x64x128xf32, #tpu.memory_space<vmem>>, vector<1x1x16xf32>,
      %swap3A_435 = vector.shape_cast %swap3A_434 : vector<1x1x16xf32> to vector<16xf32>
      %swap3A_436 = vector.shape_cast %add3A_429 : vector<16xf32> to vector<1x1x16xf32>
      tpu.vector_store %arg8[%swap3A_431, %swap3A_432, %swap3A_433], %swap3A_436 {strides = array<i32>} : memref<4x64x128xf32, #tpu.memory_space<vmem>>, vector<1x1x16xf32>,
      %get3A_437 = arith.constant 0 : i32
      %get3A_438 = arith.index_cast %get3A_437 : i32 to index
      %get3A_439 = arith.index_cast %scan3A_384 : i32 to index
      %get3A_440 = arith.constant 48 : index
      %get3A_441 = tpu.vector_load %arg8[%get3A_438, %get3A_439, %get3A_440] {strides = array<i32>} : memref<4x64x128xf32, #tpu.memory_space<vmem>>, vector<1x1x16xf32>,
      %get3A_442 = vector.shape_cast %get3A_441 : vector<1x1x16xf32> to vector<16xf32>
      %get3A_443 = arith.index_cast %scan3A_384 : i32 to index
      %get3A_444 = arith.constant 48 : index
      %get3A_445 = tpu.vector_load %arg7[%get3A_443, %get3A_444] {strides = array<i32>} : memref<64x128xf32, #tpu.memory_space<vmem>>, vector<1x16xf32>,
      %get3A_446 = vector.shape_cast %get3A_445 : vector<1x16xf32> to vector<16xf32>
      %add3A_447 = arith.addf %get3A_442, %get3A_446 : vector<16xf32>
      %swap3A_448 = arith.constant 0 : i32
      %swap3A_449 = arith.index_cast %swap3A_448 : i32 to index
      %swap3A_450 = arith.index_cast %scan3A_384 : i32 to index
      %swap3A_451 = arith.constant 48 : index
      %swap3A_452 = tpu.vector_load %arg8[%swap3A_449, %swap3A_450, %swap3A_451] {strides = array<i32>} : memref<4x64x128xf32, #tpu.memory_space<vmem>>, vector<1x1x16xf32>,
      %swap3A_453 = vector.shape_cast %swap3A_452 : vector<1x1x16xf32> to vector<16xf32>
      %swap3A_454 = vector.shape_cast %add3A_447 : vector<16xf32> to vector<1x1x16xf32>
      tpu.vector_store %arg8[%swap3A_449, %swap3A_450, %swap3A_451], %swap3A_454 {strides = array<i32>} : memref<4x64x128xf32, #tpu.memory_space<vmem>>, vector<1x1x16xf32>,
      %get3A_455 = arith.constant 0 : i32
      %get3A_456 = arith.index_cast %get3A_455 : i32 to index
      %get3A_457 = arith.index_cast %scan3A_384 : i32 to index
      %get3A_458 = arith.constant 64 : index
      %get3A_459 = tpu.vector_load %arg8[%get3A_456, %get3A_457, %get3A_458] {strides = array<i32>} : memref<4x64x128xf32, #tpu.memory_space<vmem>>, vector<1x1x16xf32>,
      %get3A_460 = vector.shape_cast %get3A_459 : vector<1x1x16xf32> to vector<16xf32>
      %get3A_461 = arith.index_cast %scan3A_384 : i32 to index
      %get3A_462 = arith.constant 64 : index
      %get3A_463 = tpu.vector_load %arg7[%get3A_461, %get3A_462] {strides = array<i32>} : memref<64x128xf32, #tpu.memory_space<vmem>>, vector<1x16xf32>,
      %get3A_464 = vector.shape_cast %get3A_463 : vector<1x16xf32> to vector<16xf32>
      %add3A_465 = arith.addf %get3A_460, %get3A_464 : vector<16xf32>
      %swap3A_466 = arith.constant 0 : i32
      %swap3A_467 = arith.index_cast %swap3A_466 : i32 to index
      %swap3A_468 = arith.index_cast %scan3A_384 : i32 to index
      %swap3A_469 = arith.constant 64 : index
      %swap3A_470 = tpu.vector_load %arg8[%swap3A_467, %swap3A_468, %swap3A_469] {strides = array<i32>} : memref<4x64x128xf32, #tpu.memory_space<vmem>>, vector<1x1x16xf32>,
      %swap3A_471 = vector.shape_cast %swap3A_470 : vector<1x1x16xf32> to vector<16xf32>
      %swap3A_472 = vector.shape_cast %add3A_465 : vector<16xf32> to vector<1x1x16xf32>
      tpu.vector_store %arg8[%swap3A_467, %swap3A_468, %swap3A_469], %swap3A_472 {strides = array<i32>} : memref<4x64x128xf32, #tpu.memory_space<vmem>>, vector<1x1x16xf32>,
      %get3A_473 = arith.constant 0 : i32
      %get3A_474 = arith.index_cast %get3A_473 : i32 to index
      %get3A_475 = arith.index_cast %scan3A_384 : i32 to index
      %get3A_476 = arith.constant 80 : index
      %get3A_477 = tpu.vector_load %arg8[%get3A_474, %get3A_475, %get3A_476] {strides = array<i32>} : memref<4x64x128xf32, #tpu.memory_space<vmem>>, vector<1x1x16xf32>,
      %get3A_478 = vector.shape_cast %get3A_477 : vector<1x1x16xf32> to vector<16xf32>
      %get3A_479 = arith.index_cast %scan3A_384 : i32 to index
      %get3A_480 = arith.constant 80 : index
      %get3A_481 = tpu.vector_load %arg7[%get3A_479, %get3A_480] {strides = array<i32>} : memref<64x128xf32, #tpu.memory_space<vmem>>, vector<1x16xf32>,
      %get3A_482 = vector.shape_cast %get3A_481 : vector<1x16xf32> to vector<16xf32>
      %add3A_483 = arith.addf %get3A_478, %get3A_482 : vector<16xf32>
      %swap3A_484 = arith.constant 0 : i32
      %swap3A_485 = arith.index_cast %swap3A_484 : i32 to index
      %swap3A_486 = arith.index_cast %scan3A_384 : i32 to index
      %swap3A_487 = arith.constant 80 : index
      %swap3A_488 = tpu.vector_load %arg8[%swap3A_485, %swap3A_486, %swap3A_487] {strides = array<i32>} : memref<4x64x128xf32, #tpu.memory_space<vmem>>, vector<1x1x16xf32>,
      %swap3A_489 = vector.shape_cast %swap3A_488 : vector<1x1x16xf32> to vector<16xf32>
      %swap3A_490 = vector.shape_cast %add3A_483 : vector<16xf32> to vector<1x1x16xf32>
      tpu.vector_store %arg8[%swap3A_485, %swap3A_486, %swap3A_487], %swap3A_490 {strides = array<i32>} : memref<4x64x128xf32, #tpu.memory_space<vmem>>, vector<1x1x16xf32>,
      %get3A_491 = arith.constant 0 : i32
      %get3A_492 = arith.index_cast %get3A_491 : i32 to index
      %get3A_493 = arith.index_cast %scan3A_384 : i32 to index
      %get3A_494 = arith.constant 96 : index
      %get3A_495 = tpu.vector_load %arg8[%get3A_492, %get3A_493, %get3A_494] {strides = array<i32>} : memref<4x64x128xf32, #tpu.memory_space<vmem>>, vector<1x1x16xf32>,
      %get3A_496 = vector.shape_cast %get3A_495 : vector<1x1x16xf32> to vector<16xf32>
      %get3A_497 = arith.index_cast %scan3A_384 : i32 to index
      %get3A_498 = arith.constant 96 : index
      %get3A_499 = tpu.vector_load %arg7[%get3A_497, %get3A_498] {strides = array<i32>} : memref<64x128xf32, #tpu.memory_space<vmem>>, vector<1x16xf32>,
      %get3A_500 = vector.shape_cast %get3A_499 : vector<1x16xf32> to vector<16xf32>
      %add3A_501 = arith.addf %get3A_496, %get3A_500 : vector<16xf32>
      %swap3A_502 = arith.constant 0 : i32
      %swap3A_503 = arith.index_cast %swap3A_502 : i32 to index
      %swap3A_504 = arith.index_cast %scan3A_384 : i32 to index
      %swap3A_505 = arith.constant 96 : index
      %swap3A_506 = tpu.vector_load %arg8[%swap3A_503, %swap3A_504, %swap3A_505] {strides = array<i32>} : memref<4x64x128xf32, #tpu.memory_space<vmem>>, vector<1x1x16xf32>,
      %swap3A_507 = vector.shape_cast %swap3A_506 : vector<1x1x16xf32> to vector<16xf32>
      %swap3A_508 = vector.shape_cast %add3A_501 : vector<16xf32> to vector<1x1x16xf32>
      tpu.vector_store %arg8[%swap3A_503, %swap3A_504, %swap3A_505], %swap3A_508 {strides = array<i32>} : memref<4x64x128xf32, #tpu.memory_space<vmem>>, vector<1x1x16xf32>,
      %get3A_509 = arith.constant 0 : i32
      %get3A_510 = arith.index_cast %get3A_509 : i32 to index
      %get3A_511 = arith.index_cast %scan3A_384 : i32 to index
      %get3A_512 = arith.constant 112 : index
      %get3A_513 = tpu.vector_load %arg8[%get3A_510, %get3A_511, %get3A_512] {strides = array<i32>} : memref<4x64x128xf32, #tpu.memory_space<vmem>>, vector<1x1x16xf32>,
      %get3A_514 = vector.shape_cast %get3A_513 : vector<1x1x16xf32> to vector<16xf32>
      %get3A_515 = arith.index_cast %scan3A_384 : i32 to index
      %get3A_516 = arith.constant 112 : index
      %get3A_517 = tpu.vector_load %arg7[%get3A_515, %get3A_516] {strides = array<i32>} : memref<64x128xf32, #tpu.memory_space<vmem>>, vector<1x16xf32>,
      %get3A_518 = vector.shape_cast %get3A_517 : vector<1x16xf32> to vector<16xf32>
      %add3A_519 = arith.addf %get3A_514, %get3A_518 : vector<16xf32>
      %swap3A_520 = arith.constant 0 : i32
      %swap3A_521 = arith.index_cast %swap3A_520 : i32 to index
      %swap3A_522 = arith.index_cast %scan3A_384 : i32 to index
      %swap3A_523 = arith.constant 112 : index
      %swap3A_524 = tpu.vector_load %arg8[%swap3A_521, %swap3A_522, %swap3A_523] {strides = array<i32>} : memref<4x64x128xf32, #tpu.memory_space<vmem>>, vector<1x1x16xf32>,
      %swap3A_525 = vector.shape_cast %swap3A_524 : vector<1x1x16xf32> to vector<16xf32>
      %swap3A_526 = vector.shape_cast %add3A_519 : vector<16xf32> to vector<1x1x16xf32>
      tpu.vector_store %arg8[%swap3A_521, %swap3A_522, %swap3A_523], %swap3A_526 {strides = array<i32>} : memref<4x64x128xf32, #tpu.memory_space<vmem>>, vector<1x1x16xf32>,
    }
    %scan3A_174 = arith.constant 64 : i32
    %dma_start3A_175 = arith.constant 0 : i32
    %dma_start3A_176 = arith.constant 0 : i32
    %dma_start3A_177 = arith.constant 0 : i32
    %dma_start3A_178 = arith.constant 0 : i32
    %dma_start3A_179 = arith.constant 0 : i32
    %dma_start3A_180 = tpu.memref_slice %arg8[%dma_start3A_175, %dma_start3A_178, %dma_start3A_179] : memref<4x64x128xf32, #tpu.memory_space<vmem>> -> memref<1x64x128xf32, #tpu.memory_space<vmem>>
    %dma_start3A_181 = tpu.memref_squeeze %dma_start3A_180 : memref<1x64x128xf32, #tpu.memory_space<vmem>> -> memref<64x128xf32, #tpu.memory_space<vmem>>
    %dma_start3A_182 = arith.constant 0 : i32
    %dma_start3A_183 = tpu.memref_slice %arg5[%dma_start3A_176, %mul3A_2, %dma_start3A_182] : memref<4x2048x128xf32, #tpu.memory_space<hbm>> -> memref<1x64x128xf32, #tpu.memory_space<hbm>>
    %dma_start3A_184 = tpu.memref_squeeze %dma_start3A_183 : memref<1x64x128xf32, #tpu.memory_space<hbm>> -> memref<64x128xf32, #tpu.memory_space<hbm>>
    %dma_start3A_185 = tpu.memref_slice %arg12[%dma_start3A_177] : memref<4x!tpu.dma_semaphore, #tpu.memory_space<semaphore_mem>> -> memref<1x!tpu.dma_semaphore, #tpu.memory_space<semaphore_mem>>
    %dma_start3A_186 = tpu.memref_squeeze %dma_start3A_185 : memref<1x!tpu.dma_semaphore, #tpu.memory_space<semaphore_mem>> -> memref<!tpu.dma_semaphore, #tpu.memory_space<semaphore_mem>>
    %dma_start3A_187 = arith.constant 0 : i32
    %dma_start3A_188 = tpu.memref_slice %arg5[%dma_start3A_176, %mul3A_2, %dma_start3A_187] : memref<4x2048x128xf32, #tpu.memory_space<hbm>> -> memref<1x64x128xf32, #tpu.memory_space<hbm>>
    %dma_start3A_189 = tpu.memref_squeeze %dma_start3A_188 : memref<1x64x128xf32, #tpu.memory_space<hbm>> -> memref<64x128xf32, #tpu.memory_space<hbm>>
    %dma_start3A_190 = arith.constant 0 : i32
    %dma_start3A_191 = arith.constant 0 : i32
    %dma_start3A_192 = tpu.memref_slice %arg8[%dma_start3A_175, %dma_start3A_190, %dma_start3A_191] : memref<4x64x128xf32, #tpu.memory_space<vmem>> -> memref<1x64x128xf32, #tpu.memory_space<vmem>>
    %dma_start3A_193 = tpu.memref_squeeze %dma_start3A_192 : memref<1x64x128xf32, #tpu.memory_space<vmem>> -> memref<64x128xf32, #tpu.memory_space<vmem>>
    tpu.enqueue_dma source(%dma_start3A_193 : memref<64x128xf32, #tpu.memory_space<vmem>>) target(%dma_start3A_189 : memref<64x128xf32, #tpu.memory_space<hbm>>) target_semaphore(%dma_start3A_186 : memref<!tpu.dma_semaphore, #tpu.memory_space<semaphore_mem>>)
    %dma_wait3A_194 = arith.constant 1 : i32
    %dma_wait3A_195 = arith.constant 1 : i32
    %dma_wait3A_196 = arith.constant 0 : i32
    %dma_wait3A_197 = arith.constant 0 : i32
    %dma_wait3A_198 = tpu.memref_slice %arg8[%dma_wait3A_194, %dma_wait3A_196, %dma_wait3A_197] : memref<4x64x128xf32, #tpu.memory_space<vmem>> -> memref<1x64x128xf32, #tpu.memory_space<vmem>>
    %dma_wait3A_199 = tpu.memref_squeeze %dma_wait3A_198 : memref<1x64x128xf32, #tpu.memory_space<vmem>> -> memref<64x128xf32, #tpu.memory_space<vmem>>
    %dma_wait3A_200 = arith.constant 64 : i32
    %dma_wait3A_201 = tpu.memref_slice %arg6[%dma_wait3A_200] : memref<256xi32, #tpu.memory_space<vmem>> -> memref<64xi32, #tpu.memory_space<vmem>>
    %dma_wait3A_202 = arith.constant 0 : i32
    %dma_wait3A_203 = arith.constant 0 : i32
    %dma_wait3A_204 = tpu.memref_slice %arg3[%dma_wait3A_202, %dma_wait3A_203] : memref<100000x128xf32, #tpu.memory_space<hbm>> -> memref<100000x128xf32, #tpu.memory_space<hbm>>
    %dma_wait3A_205 = tpu.memref_slice %arg11[%dma_wait3A_195] : memref<4x!tpu.dma_semaphore, #tpu.memory_space<semaphore_mem>> -> memref<1x!tpu.dma_semaphore, #tpu.memory_space<semaphore_mem>>
    %dma_wait3A_206 = tpu.memref_squeeze %dma_wait3A_205 : memref<1x!tpu.dma_semaphore, #tpu.memory_space<semaphore_mem>> -> memref<!tpu.dma_semaphore, #tpu.memory_space<semaphore_mem>>
    tpu.wait_indirect_dma semaphore(%dma_wait3A_206 : memref<!tpu.dma_semaphore, #tpu.memory_space<semaphore_mem>>) src(%dma_wait3A_204 : memref<100000x128xf32, #tpu.memory_space<hbm>>) dst(%dma_wait3A_199 : memref<64x128xf32, #tpu.memory_space<vmem>>)
    %scan3A_207 = arith.constant 0 : i32
    %scan3A_208 = arith.constant 0 : i32
    %scan3A_209 = arith.constant 64 : i32
    %scan3A_210 = arith.addi %scan3A_208, %scan3A_209 : i32
    %scan3A_211 = arith.constant 1 : i32
    scf.for %scan3A_384 = %scan3A_208 to %scan3A_210 step %scan3A_211  : i32 {
      %get3A = arith.constant 1 : i32
      %get3A_385 = arith.index_cast %get3A : i32 to index
      %get3A_386 = arith.index_cast %scan3A_384 : i32 to index
      %get3A_387 = arith.constant 0 : index
      %get3A_388 = tpu.vector_load %arg8[%get3A_385, %get3A_386, %get3A_387] {strides = array<i32>} : memref<4x64x128xf32, #tpu.memory_space<vmem>>, vector<1x1x16xf32>,
      %get3A_389 = vector.shape_cast %get3A_388 : vector<1x1x16xf32> to vector<16xf32>
      %get3A_390 = arith.index_cast %scan3A_384 : i32 to index
      %get3A_391 = arith.constant 0 : index
      %get3A_392 = tpu.vector_load %arg7[%get3A_390, %get3A_391] {strides = array<i32>} : memref<64x128xf32, #tpu.memory_space<vmem>>, vector<1x16xf32>,
      %get3A_393 = vector.shape_cast %get3A_392 : vector<1x16xf32> to vector<16xf32>
      %add3A_394 = arith.addf %get3A_389, %get3A_393 : vector<16xf32>
      %swap3A = arith.constant 1 : i32
      %swap3A_395 = arith.index_cast %swap3A : i32 to index
      %swap3A_396 = arith.index_cast %scan3A_384 : i32 to index
      %swap3A_397 = arith.constant 0 : index
      %swap3A_398 = tpu.vector_load %arg8[%swap3A_395, %swap3A_396, %swap3A_397] {strides = array<i32>} : memref<4x64x128xf32, #tpu.memory_space<vmem>>, vector<1x1x16xf32>,
      %swap3A_399 = vector.shape_cast %swap3A_398 : vector<1x1x16xf32> to vector<16xf32>
      %swap3A_400 = vector.shape_cast %add3A_394 : vector<16xf32> to vector<1x1x16xf32>
      tpu.vector_store %arg8[%swap3A_395, %swap3A_396, %swap3A_397], %swap3A_400 {strides = array<i32>} : memref<4x64x128xf32, #tpu.memory_space<vmem>>, vector<1x1x16xf32>,
      %get3A_401 = arith.constant 1 : i32
      %get3A_402 = arith.index_cast %get3A_401 : i32 to index
      %get3A_403 = arith.index_cast %scan3A_384 : i32 to index
      %get3A_404 = arith.constant 16 : index
      %get3A_405 = tpu.vector_load %arg8[%get3A_402, %get3A_403, %get3A_404] {strides = array<i32>} : memref<4x64x128xf32, #tpu.memory_space<vmem>>, vector<1x1x16xf32>,
      %get3A_406 = vector.shape_cast %get3A_405 : vector<1x1x16xf32> to vector<16xf32>
      %get3A_407 = arith.index_cast %scan3A_384 : i32 to index
      %get3A_408 = arith.constant 16 : index
      %get3A_409 = tpu.vector_load %arg7[%get3A_407, %get3A_408] {strides = array<i32>} : memref<64x128xf32, #tpu.memory_space<vmem>>, vector<1x16xf32>,
      %get3A_410 = vector.shape_cast %get3A_409 : vector<1x16xf32> to vector<16xf32>
      %add3A_411 = arith.addf %get3A_406, %get3A_410 : vector<16xf32>
      %swap3A_412 = arith.constant 1 : i32
      %swap3A_413 = arith.index_cast %swap3A_412 : i32 to index
      %swap3A_414 = arith.index_cast %scan3A_384 : i32 to index
      %swap3A_415 = arith.constant 16 : index
      %swap3A_416 = tpu.vector_load %arg8[%swap3A_413, %swap3A_414, %swap3A_415] {strides = array<i32>} : memref<4x64x128xf32, #tpu.memory_space<vmem>>, vector<1x1x16xf32>,
      %swap3A_417 = vector.shape_cast %swap3A_416 : vector<1x1x16xf32> to vector<16xf32>
      %swap3A_418 = vector.shape_cast %add3A_411 : vector<16xf32> to vector<1x1x16xf32>
      tpu.vector_store %arg8[%swap3A_413, %swap3A_414, %swap3A_415], %swap3A_418 {strides = array<i32>} : memref<4x64x128xf32, #tpu.memory_space<vmem>>, vector<1x1x16xf32>,
      %get3A_419 = arith.constant 1 : i32
      %get3A_420 = arith.index_cast %get3A_419 : i32 to index
      %get3A_421 = arith.index_cast %scan3A_384 : i32 to index
      %get3A_422 = arith.constant 32 : index
      %get3A_423 = tpu.vector_load %arg8[%get3A_420, %get3A_421, %get3A_422] {strides = array<i32>} : memref<4x64x128xf32, #tpu.memory_space<vmem>>, vector<1x1x16xf32>,
      %get3A_424 = vector.shape_cast %get3A_423 : vector<1x1x16xf32> to vector<16xf32>
      %get3A_425 = arith.index_cast %scan3A_384 : i32 to index
      %get3A_426 = arith.constant 32 : index
      %get3A_427 = tpu.vector_load %arg7[%get3A_425, %get3A_426] {strides = array<i32>} : memref<64x128xf32, #tpu.memory_space<vmem>>, vector<1x16xf32>,
      %get3A_428 = vector.shape_cast %get3A_427 : vector<1x16xf32> to vector<16xf32>
      %add3A_429 = arith.addf %get3A_424, %get3A_428 : vector<16xf32>
      %swap3A_430 = arith.constant 1 : i32
      %swap3A_431 = arith.index_cast %swap3A_430 : i32 to index
      %swap3A_432 = arith.index_cast %scan3A_384 : i32 to index
      %swap3A_433 = arith.constant 32 : index
      %swap3A_434 = tpu.vector_load %arg8[%swap3A_431, %swap3A_432, %swap3A_433] {strides = array<i32>} : memref<4x64x128xf32, #tpu.memory_space<vmem>>, vector<1x1x16xf32>,
      %swap3A_435 = vector.shape_cast %swap3A_434 : vector<1x1x16xf32> to vector<16xf32>
      %swap3A_436 = vector.shape_cast %add3A_429 : vector<16xf32> to vector<1x1x16xf32>
      tpu.vector_store %arg8[%swap3A_431, %swap3A_432, %swap3A_433], %swap3A_436 {strides = array<i32>} : memref<4x64x128xf32, #tpu.memory_space<vmem>>, vector<1x1x16xf32>,
      %get3A_437 = arith.constant 1 : i32
      %get3A_438 = arith.index_cast %get3A_437 : i32 to index
      %get3A_439 = arith.index_cast %scan3A_384 : i32 to index
      %get3A_440 = arith.constant 48 : index
      %get3A_441 = tpu.vector_load %arg8[%get3A_438, %get3A_439, %get3A_440] {strides = array<i32>} : memref<4x64x128xf32, #tpu.memory_space<vmem>>, vector<1x1x16xf32>,
      %get3A_442 = vector.shape_cast %get3A_441 : vector<1x1x16xf32> to vector<16xf32>
      %get3A_443 = arith.index_cast %scan3A_384 : i32 to index
      %get3A_444 = arith.constant 48 : index
      %get3A_445 = tpu.vector_load %arg7[%get3A_443, %get3A_444] {strides = array<i32>} : memref<64x128xf32, #tpu.memory_space<vmem>>, vector<1x16xf32>,
      %get3A_446 = vector.shape_cast %get3A_445 : vector<1x16xf32> to vector<16xf32>
      %add3A_447 = arith.addf %get3A_442, %get3A_446 : vector<16xf32>
      %swap3A_448 = arith.constant 1 : i32
      %swap3A_449 = arith.index_cast %swap3A_448 : i32 to index
      %swap3A_450 = arith.index_cast %scan3A_384 : i32 to index
      %swap3A_451 = arith.constant 48 : index
      %swap3A_452 = tpu.vector_load %arg8[%swap3A_449, %swap3A_450, %swap3A_451] {strides = array<i32>} : memref<4x64x128xf32, #tpu.memory_space<vmem>>, vector<1x1x16xf32>,
      %swap3A_453 = vector.shape_cast %swap3A_452 : vector<1x1x16xf32> to vector<16xf32>
      %swap3A_454 = vector.shape_cast %add3A_447 : vector<16xf32> to vector<1x1x16xf32>
      tpu.vector_store %arg8[%swap3A_449, %swap3A_450, %swap3A_451], %swap3A_454 {strides = array<i32>} : memref<4x64x128xf32, #tpu.memory_space<vmem>>, vector<1x1x16xf32>,
      %get3A_455 = arith.constant 1 : i32
      %get3A_456 = arith.index_cast %get3A_455 : i32 to index
      %get3A_457 = arith.index_cast %scan3A_384 : i32 to index
      %get3A_458 = arith.constant 64 : index
      %get3A_459 = tpu.vector_load %arg8[%get3A_456, %get3A_457, %get3A_458] {strides = array<i32>} : memref<4x64x128xf32, #tpu.memory_space<vmem>>, vector<1x1x16xf32>,
      %get3A_460 = vector.shape_cast %get3A_459 : vector<1x1x16xf32> to vector<16xf32>
      %get3A_461 = arith.index_cast %scan3A_384 : i32 to index
      %get3A_462 = arith.constant 64 : index
      %get3A_463 = tpu.vector_load %arg7[%get3A_461, %get3A_462] {strides = array<i32>} : memref<64x128xf32, #tpu.memory_space<vmem>>, vector<1x16xf32>,
      %get3A_464 = vector.shape_cast %get3A_463 : vector<1x16xf32> to vector<16xf32>
      %add3A_465 = arith.addf %get3A_460, %get3A_464 : vector<16xf32>
      %swap3A_466 = arith.constant 1 : i32
      %swap3A_467 = arith.index_cast %swap3A_466 : i32 to index
      %swap3A_468 = arith.index_cast %scan3A_384 : i32 to index
      %swap3A_469 = arith.constant 64 : index
      %swap3A_470 = tpu.vector_load %arg8[%swap3A_467, %swap3A_468, %swap3A_469] {strides = array<i32>} : memref<4x64x128xf32, #tpu.memory_space<vmem>>, vector<1x1x16xf32>,
      %swap3A_471 = vector.shape_cast %swap3A_470 : vector<1x1x16xf32> to vector<16xf32>
      %swap3A_472 = vector.shape_cast %add3A_465 : vector<16xf32> to vector<1x1x16xf32>
      tpu.vector_store %arg8[%swap3A_467, %swap3A_468, %swap3A_469], %swap3A_472 {strides = array<i32>} : memref<4x64x128xf32, #tpu.memory_space<vmem>>, vector<1x1x16xf32>,
      %get3A_473 = arith.constant 1 : i32
      %get3A_474 = arith.index_cast %get3A_473 : i32 to index
      %get3A_475 = arith.index_cast %scan3A_384 : i32 to index
      %get3A_476 = arith.constant 80 : index
      %get3A_477 = tpu.vector_load %arg8[%get3A_474, %get3A_475, %get3A_476] {strides = array<i32>} : memref<4x64x128xf32, #tpu.memory_space<vmem>>, vector<1x1x16xf32>,
      %get3A_478 = vector.shape_cast %get3A_477 : vector<1x1x16xf32> to vector<16xf32>
      %get3A_479 = arith.index_cast %scan3A_384 : i32 to index
      %get3A_480 = arith.constant 80 : index
      %get3A_481 = tpu.vector_load %arg7[%get3A_479, %get3A_480] {strides = array<i32>} : memref<64x128xf32, #tpu.memory_space<vmem>>, vector<1x16xf32>,
      %get3A_482 = vector.shape_cast %get3A_481 : vector<1x16xf32> to vector<16xf32>
      %add3A_483 = arith.addf %get3A_478, %get3A_482 : vector<16xf32>
      %swap3A_484 = arith.constant 1 : i32
      %swap3A_485 = arith.index_cast %swap3A_484 : i32 to index
      %swap3A_486 = arith.index_cast %scan3A_384 : i32 to index
      %swap3A_487 = arith.constant 80 : index
      %swap3A_488 = tpu.vector_load %arg8[%swap3A_485, %swap3A_486, %swap3A_487] {strides = array<i32>} : memref<4x64x128xf32, #tpu.memory_space<vmem>>, vector<1x1x16xf32>,
      %swap3A_489 = vector.shape_cast %swap3A_488 : vector<1x1x16xf32> to vector<16xf32>
      %swap3A_490 = vector.shape_cast %add3A_483 : vector<16xf32> to vector<1x1x16xf32>
      tpu.vector_store %arg8[%swap3A_485, %swap3A_486, %swap3A_487], %swap3A_490 {strides = array<i32>} : memref<4x64x128xf32, #tpu.memory_space<vmem>>, vector<1x1x16xf32>,
      %get3A_491 = arith.constant 1 : i32
      %get3A_492 = arith.index_cast %get3A_491 : i32 to index
      %get3A_493 = arith.index_cast %scan3A_384 : i32 to index
      %get3A_494 = arith.constant 96 : index
      %get3A_495 = tpu.vector_load %arg8[%get3A_492, %get3A_493, %get3A_494] {strides = array<i32>} : memref<4x64x128xf32, #tpu.memory_space<vmem>>, vector<1x1x16xf32>,
      %get3A_496 = vector.shape_cast %get3A_495 : vector<1x1x16xf32> to vector<16xf32>
      %get3A_497 = arith.index_cast %scan3A_384 : i32 to index
      %get3A_498 = arith.constant 96 : index
      %get3A_499 = tpu.vector_load %arg7[%get3A_497, %get3A_498] {strides = array<i32>} : memref<64x128xf32, #tpu.memory_space<vmem>>, vector<1x16xf32>,
      %get3A_500 = vector.shape_cast %get3A_499 : vector<1x16xf32> to vector<16xf32>
      %add3A_501 = arith.addf %get3A_496, %get3A_500 : vector<16xf32>
      %swap3A_502 = arith.constant 1 : i32
      %swap3A_503 = arith.index_cast %swap3A_502 : i32 to index
      %swap3A_504 = arith.index_cast %scan3A_384 : i32 to index
      %swap3A_505 = arith.constant 96 : index
      %swap3A_506 = tpu.vector_load %arg8[%swap3A_503, %swap3A_504, %swap3A_505] {strides = array<i32>} : memref<4x64x128xf32, #tpu.memory_space<vmem>>, vector<1x1x16xf32>,
      %swap3A_507 = vector.shape_cast %swap3A_506 : vector<1x1x16xf32> to vector<16xf32>
      %swap3A_508 = vector.shape_cast %add3A_501 : vector<16xf32> to vector<1x1x16xf32>
      tpu.vector_store %arg8[%swap3A_503, %swap3A_504, %swap3A_505], %swap3A_508 {strides = array<i32>} : memref<4x64x128xf32, #tpu.memory_space<vmem>>, vector<1x1x16xf32>,
      %get3A_509 = arith.constant 1 : i32
      %get3A_510 = arith.index_cast %get3A_509 : i32 to index
      %get3A_511 = arith.index_cast %scan3A_384 : i32 to index
      %get3A_512 = arith.constant 112 : index
      %get3A_513 = tpu.vector_load %arg8[%get3A_510, %get3A_511, %get3A_512] {strides = array<i32>} : memref<4x64x128xf32, #tpu.memory_space<vmem>>, vector<1x1x16xf32>,
      %get3A_514 = vector.shape_cast %get3A_513 : vector<1x1x16xf32> to vector<16xf32>
      %get3A_515 = arith.index_cast %scan3A_384 : i32 to index
      %get3A_516 = arith.constant 112 : index
      %get3A_517 = tpu.vector_load %arg7[%get3A_515, %get3A_516] {strides = array<i32>} : memref<64x128xf32, #tpu.memory_space<vmem>>, vector<1x16xf32>,
      %get3A_518 = vector.shape_cast %get3A_517 : vector<1x16xf32> to vector<16xf32>
      %add3A_519 = arith.addf %get3A_514, %get3A_518 : vector<16xf32>
      %swap3A_520 = arith.constant 1 : i32
      %swap3A_521 = arith.index_cast %swap3A_520 : i32 to index
      %swap3A_522 = arith.index_cast %scan3A_384 : i32 to index
      %swap3A_523 = arith.constant 112 : index
      %swap3A_524 = tpu.vector_load %arg8[%swap3A_521, %swap3A_522, %swap3A_523] {strides = array<i32>} : memref<4x64x128xf32, #tpu.memory_space<vmem>>, vector<1x1x16xf32>,
      %swap3A_525 = vector.shape_cast %swap3A_524 : vector<1x1x16xf32> to vector<16xf32>
      %swap3A_526 = vector.shape_cast %add3A_519 : vector<16xf32> to vector<1x1x16xf32>
      tpu.vector_store %arg8[%swap3A_521, %swap3A_522, %swap3A_523], %swap3A_526 {strides = array<i32>} : memref<4x64x128xf32, #tpu.memory_space<vmem>>, vector<1x1x16xf32>,
    }
    %scan3A_212 = arith.constant 64 : i32
    %dma_start3A_213 = arith.constant 1 : i32
    %dma_start3A_214 = arith.constant 1 : i32
    %dma_start3A_215 = arith.constant 1 : i32
    %dma_start3A_216 = arith.constant 0 : i32
    %dma_start3A_217 = arith.constant 0 : i32
    %dma_start3A_218 = tpu.memref_slice %arg8[%dma_start3A_213, %dma_start3A_216, %dma_start3A_217] : memref<4x64x128xf32, #tpu.memory_space<vmem>> -> memref<1x64x128xf32, #tpu.memory_space<vmem>>
    %dma_start3A_219 = tpu.memref_squeeze %dma_start3A_218 : memref<1x64x128xf32, #tpu.memory_space<vmem>> -> memref<64x128xf32, #tpu.memory_space<vmem>>
    %dma_start3A_220 = arith.constant 0 : i32
    %dma_start3A_221 = tpu.memref_slice %arg5[%dma_start3A_214, %mul3A_2, %dma_start3A_220] : memref<4x2048x128xf32, #tpu.memory_space<hbm>> -> memref<1x64x128xf32, #tpu.memory_space<hbm>>
    %dma_start3A_222 = tpu.memref_squeeze %dma_start3A_221 : memref<1x64x128xf32, #tpu.memory_space<hbm>> -> memref<64x128xf32, #tpu.memory_space<hbm>>
    %dma_start3A_223 = tpu.memref_slice %arg12[%dma_start3A_215] : memref<4x!tpu.dma_semaphore, #tpu.memory_space<semaphore_mem>> -> memref<1x!tpu.dma_semaphore, #tpu.memory_space<semaphore_mem>>
    %dma_start3A_224 = tpu.memref_squeeze %dma_start3A_223 : memref<1x!tpu.dma_semaphore, #tpu.memory_space<semaphore_mem>> -> memref<!tpu.dma_semaphore, #tpu.memory_space<semaphore_mem>>
    %dma_start3A_225 = arith.constant 0 : i32
    %dma_start3A_226 = tpu.memref_slice %arg5[%dma_start3A_214, %mul3A_2, %dma_start3A_225] : memref<4x2048x128xf32, #tpu.memory_space<hbm>> -> memref<1x64x128xf32, #tpu.memory_space<hbm>>
    %dma_start3A_227 = tpu.memref_squeeze %dma_start3A_226 : memref<1x64x128xf32, #tpu.memory_space<hbm>> -> memref<64x128xf32, #tpu.memory_space<hbm>>
    %dma_start3A_228 = arith.constant 0 : i32
    %dma_start3A_229 = arith.constant 0 : i32
    %dma_start3A_230 = tpu.memref_slice %arg8[%dma_start3A_213, %dma_start3A_228, %dma_start3A_229] : memref<4x64x128xf32, #tpu.memory_space<vmem>> -> memref<1x64x128xf32, #tpu.memory_space<vmem>>
    %dma_start3A_231 = tpu.memref_squeeze %dma_start3A_230 : memref<1x64x128xf32, #tpu.memory_space<vmem>> -> memref<64x128xf32, #tpu.memory_space<vmem>>
    tpu.enqueue_dma source(%dma_start3A_231 : memref<64x128xf32, #tpu.memory_space<vmem>>) target(%dma_start3A_227 : memref<64x128xf32, #tpu.memory_space<hbm>>) target_semaphore(%dma_start3A_224 : memref<!tpu.dma_semaphore, #tpu.memory_space<semaphore_mem>>)
    %dma_wait3A_232 = arith.constant 2 : i32
    %dma_wait3A_233 = arith.constant 2 : i32
    %dma_wait3A_234 = arith.constant 0 : i32
    %dma_wait3A_235 = arith.constant 0 : i32
    %dma_wait3A_236 = tpu.memref_slice %arg8[%dma_wait3A_232, %dma_wait3A_234, %dma_wait3A_235] : memref<4x64x128xf32, #tpu.memory_space<vmem>> -> memref<1x64x128xf32, #tpu.memory_space<vmem>>
    %dma_wait3A_237 = tpu.memref_squeeze %dma_wait3A_236 : memref<1x64x128xf32, #tpu.memory_space<vmem>> -> memref<64x128xf32, #tpu.memory_space<vmem>>
    %dma_wait3A_238 = arith.constant 128 : i32
    %dma_wait3A_239 = tpu.memref_slice %arg6[%dma_wait3A_238] : memref<256xi32, #tpu.memory_space<vmem>> -> memref<64xi32, #tpu.memory_space<vmem>>
    %dma_wait3A_240 = arith.constant 0 : i32
    %dma_wait3A_241 = arith.constant 0 : i32
    %dma_wait3A_242 = tpu.memref_slice %arg3[%dma_wait3A_240, %dma_wait3A_241] : memref<100000x128xf32, #tpu.memory_space<hbm>> -> memref<100000x128xf32, #tpu.memory_space<hbm>>
    %dma_wait3A_243 = tpu.memref_slice %arg11[%dma_wait3A_233] : memref<4x!tpu.dma_semaphore, #tpu.memory_space<semaphore_mem>> -> memref<1x!tpu.dma_semaphore, #tpu.memory_space<semaphore_mem>>
    %dma_wait3A_244 = tpu.memref_squeeze %dma_wait3A_243 : memref<1x!tpu.dma_semaphore, #tpu.memory_space<semaphore_mem>> -> memref<!tpu.dma_semaphore, #tpu.memory_space<semaphore_mem>>
    tpu.wait_indirect_dma semaphore(%dma_wait3A_244 : memref<!tpu.dma_semaphore, #tpu.memory_space<semaphore_mem>>) src(%dma_wait3A_242 : memref<100000x128xf32, #tpu.memory_space<hbm>>) dst(%dma_wait3A_237 : memref<64x128xf32, #tpu.memory_space<vmem>>)
    %scan3A_245 = arith.constant 0 : i32
    %scan3A_246 = arith.constant 0 : i32
    %scan3A_247 = arith.constant 64 : i32
    %scan3A_248 = arith.addi %scan3A_246, %scan3A_247 : i32
    %scan3A_249 = arith.constant 1 : i32
    scf.for %scan3A_384 = %scan3A_246 to %scan3A_248 step %scan3A_249  : i32 {
      %get3A = arith.constant 2 : i32
      %get3A_385 = arith.index_cast %get3A : i32 to index
      %get3A_386 = arith.index_cast %scan3A_384 : i32 to index
      %get3A_387 = arith.constant 0 : index
      %get3A_388 = tpu.vector_load %arg8[%get3A_385, %get3A_386, %get3A_387] {strides = array<i32>} : memref<4x64x128xf32, #tpu.memory_space<vmem>>, vector<1x1x16xf32>,
      %get3A_389 = vector.shape_cast %get3A_388 : vector<1x1x16xf32> to vector<16xf32>
      %get3A_390 = arith.index_cast %scan3A_384 : i32 to index
      %get3A_391 = arith.constant 0 : index
      %get3A_392 = tpu.vector_load %arg7[%get3A_390, %get3A_391] {strides = array<i32>} : memref<64x128xf32, #tpu.memory_space<vmem>>, vector<1x16xf32>,
      %get3A_393 = vector.shape_cast %get3A_392 : vector<1x16xf32> to vector<16xf32>
      %add3A_394 = arith.addf %get3A_389, %get3A_393 : vector<16xf32>
      %swap3A = arith.constant 2 : i32
      %swap3A_395 = arith.index_cast %swap3A : i32 to index
      %swap3A_396 = arith.index_cast %scan3A_384 : i32 to index
      %swap3A_397 = arith.constant 0 : index
      %swap3A_398 = tpu.vector_load %arg8[%swap3A_395, %swap3A_396, %swap3A_397] {strides = array<i32>} : memref<4x64x128xf32, #tpu.memory_space<vmem>>, vector<1x1x16xf32>,
      %swap3A_399 = vector.shape_cast %swap3A_398 : vector<1x1x16xf32> to vector<16xf32>
      %swap3A_400 = vector.shape_cast %add3A_394 : vector<16xf32> to vector<1x1x16xf32>
      tpu.vector_store %arg8[%swap3A_395, %swap3A_396, %swap3A_397], %swap3A_400 {strides = array<i32>} : memref<4x64x128xf32, #tpu.memory_space<vmem>>, vector<1x1x16xf32>,
      %get3A_401 = arith.constant 2 : i32
      %get3A_402 = arith.index_cast %get3A_401 : i32 to index
      %get3A_403 = arith.index_cast %scan3A_384 : i32 to index
      %get3A_404 = arith.constant 16 : index
      %get3A_405 = tpu.vector_load %arg8[%get3A_402, %get3A_403, %get3A_404] {strides = array<i32>} : memref<4x64x128xf32, #tpu.memory_space<vmem>>, vector<1x1x16xf32>,
      %get3A_406 = vector.shape_cast %get3A_405 : vector<1x1x16xf32> to vector<16xf32>
      %get3A_407 = arith.index_cast %scan3A_384 : i32 to index
      %get3A_408 = arith.constant 16 : index
      %get3A_409 = tpu.vector_load %arg7[%get3A_407, %get3A_408] {strides = array<i32>} : memref<64x128xf32, #tpu.memory_space<vmem>>, vector<1x16xf32>,
      %get3A_410 = vector.shape_cast %get3A_409 : vector<1x16xf32> to vector<16xf32>
      %add3A_411 = arith.addf %get3A_406, %get3A_410 : vector<16xf32>
      %swap3A_412 = arith.constant 2 : i32
      %swap3A_413 = arith.index_cast %swap3A_412 : i32 to index
      %swap3A_414 = arith.index_cast %scan3A_384 : i32 to index
      %swap3A_415 = arith.constant 16 : index
      %swap3A_416 = tpu.vector_load %arg8[%swap3A_413, %swap3A_414, %swap3A_415] {strides = array<i32>} : memref<4x64x128xf32, #tpu.memory_space<vmem>>, vector<1x1x16xf32>,
      %swap3A_417 = vector.shape_cast %swap3A_416 : vector<1x1x16xf32> to vector<16xf32>
      %swap3A_418 = vector.shape_cast %add3A_411 : vector<16xf32> to vector<1x1x16xf32>
      tpu.vector_store %arg8[%swap3A_413, %swap3A_414, %swap3A_415], %swap3A_418 {strides = array<i32>} : memref<4x64x128xf32, #tpu.memory_space<vmem>>, vector<1x1x16xf32>,
      %get3A_419 = arith.constant 2 : i32
      %get3A_420 = arith.index_cast %get3A_419 : i32 to index
      %get3A_421 = arith.index_cast %scan3A_384 : i32 to index
      %get3A_422 = arith.constant 32 : index
      %get3A_423 = tpu.vector_load %arg8[%get3A_420, %get3A_421, %get3A_422] {strides = array<i32>} : memref<4x64x128xf32, #tpu.memory_space<vmem>>, vector<1x1x16xf32>,
      %get3A_424 = vector.shape_cast %get3A_423 : vector<1x1x16xf32> to vector<16xf32>
      %get3A_425 = arith.index_cast %scan3A_384 : i32 to index
      %get3A_426 = arith.constant 32 : index
      %get3A_427 = tpu.vector_load %arg7[%get3A_425, %get3A_426] {strides = array<i32>} : memref<64x128xf32, #tpu.memory_space<vmem>>, vector<1x16xf32>,
      %get3A_428 = vector.shape_cast %get3A_427 : vector<1x16xf32> to vector<16xf32>
      %add3A_429 = arith.addf %get3A_424, %get3A_428 : vector<16xf32>
      %swap3A_430 = arith.constant 2 : i32
      %swap3A_431 = arith.index_cast %swap3A_430 : i32 to index
      %swap3A_432 = arith.index_cast %scan3A_384 : i32 to index
      %swap3A_433 = arith.constant 32 : index
      %swap3A_434 = tpu.vector_load %arg8[%swap3A_431, %swap3A_432, %swap3A_433] {strides = array<i32>} : memref<4x64x128xf32, #tpu.memory_space<vmem>>, vector<1x1x16xf32>,
      %swap3A_435 = vector.shape_cast %swap3A_434 : vector<1x1x16xf32> to vector<16xf32>
      %swap3A_436 = vector.shape_cast %add3A_429 : vector<16xf32> to vector<1x1x16xf32>
      tpu.vector_store %arg8[%swap3A_431, %swap3A_432, %swap3A_433], %swap3A_436 {strides = array<i32>} : memref<4x64x128xf32, #tpu.memory_space<vmem>>, vector<1x1x16xf32>,
      %get3A_437 = arith.constant 2 : i32
      %get3A_438 = arith.index_cast %get3A_437 : i32 to index
      %get3A_439 = arith.index_cast %scan3A_384 : i32 to index
      %get3A_440 = arith.constant 48 : index
      %get3A_441 = tpu.vector_load %arg8[%get3A_438, %get3A_439, %get3A_440] {strides = array<i32>} : memref<4x64x128xf32, #tpu.memory_space<vmem>>, vector<1x1x16xf32>,
      %get3A_442 = vector.shape_cast %get3A_441 : vector<1x1x16xf32> to vector<16xf32>
      %get3A_443 = arith.index_cast %scan3A_384 : i32 to index
      %get3A_444 = arith.constant 48 : index
      %get3A_445 = tpu.vector_load %arg7[%get3A_443, %get3A_444] {strides = array<i32>} : memref<64x128xf32, #tpu.memory_space<vmem>>, vector<1x16xf32>,
      %get3A_446 = vector.shape_cast %get3A_445 : vector<1x16xf32> to vector<16xf32>
      %add3A_447 = arith.addf %get3A_442, %get3A_446 : vector<16xf32>
      %swap3A_448 = arith.constant 2 : i32
      %swap3A_449 = arith.index_cast %swap3A_448 : i32 to index
      %swap3A_450 = arith.index_cast %scan3A_384 : i32 to index
      %swap3A_451 = arith.constant 48 : index
      %swap3A_452 = tpu.vector_load %arg8[%swap3A_449, %swap3A_450, %swap3A_451] {strides = array<i32>} : memref<4x64x128xf32, #tpu.memory_space<vmem>>, vector<1x1x16xf32>,
      %swap3A_453 = vector.shape_cast %swap3A_452 : vector<1x1x16xf32> to vector<16xf32>
      %swap3A_454 = vector.shape_cast %add3A_447 : vector<16xf32> to vector<1x1x16xf32>
      tpu.vector_store %arg8[%swap3A_449, %swap3A_450, %swap3A_451], %swap3A_454 {strides = array<i32>} : memref<4x64x128xf32, #tpu.memory_space<vmem>>, vector<1x1x16xf32>,
      %get3A_455 = arith.constant 2 : i32
      %get3A_456 = arith.index_cast %get3A_455 : i32 to index
      %get3A_457 = arith.index_cast %scan3A_384 : i32 to index
      %get3A_458 = arith.constant 64 : index
      %get3A_459 = tpu.vector_load %arg8[%get3A_456, %get3A_457, %get3A_458] {strides = array<i32>} : memref<4x64x128xf32, #tpu.memory_space<vmem>>, vector<1x1x16xf32>,
      %get3A_460 = vector.shape_cast %get3A_459 : vector<1x1x16xf32> to vector<16xf32>
      %get3A_461 = arith.index_cast %scan3A_384 : i32 to index
      %get3A_462 = arith.constant 64 : index
      %get3A_463 = tpu.vector_load %arg7[%get3A_461, %get3A_462] {strides = array<i32>} : memref<64x128xf32, #tpu.memory_space<vmem>>, vector<1x16xf32>,
      %get3A_464 = vector.shape_cast %get3A_463 : vector<1x16xf32> to vector<16xf32>
      %add3A_465 = arith.addf %get3A_460, %get3A_464 : vector<16xf32>
      %swap3A_466 = arith.constant 2 : i32
      %swap3A_467 = arith.index_cast %swap3A_466 : i32 to index
      %swap3A_468 = arith.index_cast %scan3A_384 : i32 to index
      %swap3A_469 = arith.constant 64 : index
      %swap3A_470 = tpu.vector_load %arg8[%swap3A_467, %swap3A_468, %swap3A_469] {strides = array<i32>} : memref<4x64x128xf32, #tpu.memory_space<vmem>>, vector<1x1x16xf32>,
      %swap3A_471 = vector.shape_cast %swap3A_470 : vector<1x1x16xf32> to vector<16xf32>
      %swap3A_472 = vector.shape_cast %add3A_465 : vector<16xf32> to vector<1x1x16xf32>
      tpu.vector_store %arg8[%swap3A_467, %swap3A_468, %swap3A_469], %swap3A_472 {strides = array<i32>} : memref<4x64x128xf32, #tpu.memory_space<vmem>>, vector<1x1x16xf32>,
      %get3A_473 = arith.constant 2 : i32
      %get3A_474 = arith.index_cast %get3A_473 : i32 to index
      %get3A_475 = arith.index_cast %scan3A_384 : i32 to index
      %get3A_476 = arith.constant 80 : index
      %get3A_477 = tpu.vector_load %arg8[%get3A_474, %get3A_475, %get3A_476] {strides = array<i32>} : memref<4x64x128xf32, #tpu.memory_space<vmem>>, vector<1x1x16xf32>,
      %get3A_478 = vector.shape_cast %get3A_477 : vector<1x1x16xf32> to vector<16xf32>
      %get3A_479 = arith.index_cast %scan3A_384 : i32 to index
      %get3A_480 = arith.constant 80 : index
      %get3A_481 = tpu.vector_load %arg7[%get3A_479, %get3A_480] {strides = array<i32>} : memref<64x128xf32, #tpu.memory_space<vmem>>, vector<1x16xf32>,
      %get3A_482 = vector.shape_cast %get3A_481 : vector<1x16xf32> to vector<16xf32>
      %add3A_483 = arith.addf %get3A_478, %get3A_482 : vector<16xf32>
      %swap3A_484 = arith.constant 2 : i32
      %swap3A_485 = arith.index_cast %swap3A_484 : i32 to index
      %swap3A_486 = arith.index_cast %scan3A_384 : i32 to index
      %swap3A_487 = arith.constant 80 : index
      %swap3A_488 = tpu.vector_load %arg8[%swap3A_485, %swap3A_486, %swap3A_487] {strides = array<i32>} : memref<4x64x128xf32, #tpu.memory_space<vmem>>, vector<1x1x16xf32>,
      %swap3A_489 = vector.shape_cast %swap3A_488 : vector<1x1x16xf32> to vector<16xf32>
      %swap3A_490 = vector.shape_cast %add3A_483 : vector<16xf32> to vector<1x1x16xf32>
      tpu.vector_store %arg8[%swap3A_485, %swap3A_486, %swap3A_487], %swap3A_490 {strides = array<i32>} : memref<4x64x128xf32, #tpu.memory_space<vmem>>, vector<1x1x16xf32>,
      %get3A_491 = arith.constant 2 : i32
      %get3A_492 = arith.index_cast %get3A_491 : i32 to index
      %get3A_493 = arith.index_cast %scan3A_384 : i32 to index
      %get3A_494 = arith.constant 96 : index
      %get3A_495 = tpu.vector_load %arg8[%get3A_492, %get3A_493, %get3A_494] {strides = array<i32>} : memref<4x64x128xf32, #tpu.memory_space<vmem>>, vector<1x1x16xf32>,
      %get3A_496 = vector.shape_cast %get3A_495 : vector<1x1x16xf32> to vector<16xf32>
      %get3A_497 = arith.index_cast %scan3A_384 : i32 to index
      %get3A_498 = arith.constant 96 : index
      %get3A_499 = tpu.vector_load %arg7[%get3A_497, %get3A_498] {strides = array<i32>} : memref<64x128xf32, #tpu.memory_space<vmem>>, vector<1x16xf32>,
      %get3A_500 = vector.shape_cast %get3A_499 : vector<1x16xf32> to vector<16xf32>
      %add3A_501 = arith.addf %get3A_496, %get3A_500 : vector<16xf32>
      %swap3A_502 = arith.constant 2 : i32
      %swap3A_503 = arith.index_cast %swap3A_502 : i32 to index
      %swap3A_504 = arith.index_cast %scan3A_384 : i32 to index
      %swap3A_505 = arith.constant 96 : index
      %swap3A_506 = tpu.vector_load %arg8[%swap3A_503, %swap3A_504, %swap3A_505] {strides = array<i32>} : memref<4x64x128xf32, #tpu.memory_space<vmem>>, vector<1x1x16xf32>,
      %swap3A_507 = vector.shape_cast %swap3A_506 : vector<1x1x16xf32> to vector<16xf32>
      %swap3A_508 = vector.shape_cast %add3A_501 : vector<16xf32> to vector<1x1x16xf32>
      tpu.vector_store %arg8[%swap3A_503, %swap3A_504, %swap3A_505], %swap3A_508 {strides = array<i32>} : memref<4x64x128xf32, #tpu.memory_space<vmem>>, vector<1x1x16xf32>,
      %get3A_509 = arith.constant 2 : i32
      %get3A_510 = arith.index_cast %get3A_509 : i32 to index
      %get3A_511 = arith.index_cast %scan3A_384 : i32 to index
      %get3A_512 = arith.constant 112 : index
      %get3A_513 = tpu.vector_load %arg8[%get3A_510, %get3A_511, %get3A_512] {strides = array<i32>} : memref<4x64x128xf32, #tpu.memory_space<vmem>>, vector<1x1x16xf32>,
      %get3A_514 = vector.shape_cast %get3A_513 : vector<1x1x16xf32> to vector<16xf32>
      %get3A_515 = arith.index_cast %scan3A_384 : i32 to index
      %get3A_516 = arith.constant 112 : index
      %get3A_517 = tpu.vector_load %arg7[%get3A_515, %get3A_516] {strides = array<i32>} : memref<64x128xf32, #tpu.memory_space<vmem>>, vector<1x16xf32>,
      %get3A_518 = vector.shape_cast %get3A_517 : vector<1x16xf32> to vector<16xf32>
      %add3A_519 = arith.addf %get3A_514, %get3A_518 : vector<16xf32>
      %swap3A_520 = arith.constant 2 : i32
      %swap3A_521 = arith.index_cast %swap3A_520 : i32 to index
      %swap3A_522 = arith.index_cast %scan3A_384 : i32 to index
      %swap3A_523 = arith.constant 112 : index
      %swap3A_524 = tpu.vector_load %arg8[%swap3A_521, %swap3A_522, %swap3A_523] {strides = array<i32>} : memref<4x64x128xf32, #tpu.memory_space<vmem>>, vector<1x1x16xf32>,
      %swap3A_525 = vector.shape_cast %swap3A_524 : vector<1x1x16xf32> to vector<16xf32>
      %swap3A_526 = vector.shape_cast %add3A_519 : vector<16xf32> to vector<1x1x16xf32>
      tpu.vector_store %arg8[%swap3A_521, %swap3A_522, %swap3A_523], %swap3A_526 {strides = array<i32>} : memref<4x64x128xf32, #tpu.memory_space<vmem>>, vector<1x1x16xf32>,
    }
    %scan3A_250 = arith.constant 64 : i32
    %dma_start3A_251 = arith.constant 2 : i32
    %dma_start3A_252 = arith.constant 2 : i32
    %dma_start3A_253 = arith.constant 2 : i32
    %dma_start3A_254 = arith.constant 0 : i32
    %dma_start3A_255 = arith.constant 0 : i32
    %dma_start3A_256 = tpu.memref_slice %arg8[%dma_start3A_251, %dma_start3A_254, %dma_start3A_255] : memref<4x64x128xf32, #tpu.memory_space<vmem>> -> memref<1x64x128xf32, #tpu.memory_space<vmem>>
    %dma_start3A_257 = tpu.memref_squeeze %dma_start3A_256 : memref<1x64x128xf32, #tpu.memory_space<vmem>> -> memref<64x128xf32, #tpu.memory_space<vmem>>
    %dma_start3A_258 = arith.constant 0 : i32
    %dma_start3A_259 = tpu.memref_slice %arg5[%dma_start3A_252, %mul3A_2, %dma_start3A_258] : memref<4x2048x128xf32, #tpu.memory_space<hbm>> -> memref<1x64x128xf32, #tpu.memory_space<hbm>>
    %dma_start3A_260 = tpu.memref_squeeze %dma_start3A_259 : memref<1x64x128xf32, #tpu.memory_space<hbm>> -> memref<64x128xf32, #tpu.memory_space<hbm>>
    %dma_start3A_261 = tpu.memref_slice %arg12[%dma_start3A_253] : memref<4x!tpu.dma_semaphore, #tpu.memory_space<semaphore_mem>> -> memref<1x!tpu.dma_semaphore, #tpu.memory_space<semaphore_mem>>
    %dma_start3A_262 = tpu.memref_squeeze %dma_start3A_261 : memref<1x!tpu.dma_semaphore, #tpu.memory_space<semaphore_mem>> -> memref<!tpu.dma_semaphore, #tpu.memory_space<semaphore_mem>>
    %dma_start3A_263 = arith.constant 0 : i32
    %dma_start3A_264 = tpu.memref_slice %arg5[%dma_start3A_252, %mul3A_2, %dma_start3A_263] : memref<4x2048x128xf32, #tpu.memory_space<hbm>> -> memref<1x64x128xf32, #tpu.memory_space<hbm>>
    %dma_start3A_265 = tpu.memref_squeeze %dma_start3A_264 : memref<1x64x128xf32, #tpu.memory_space<hbm>> -> memref<64x128xf32, #tpu.memory_space<hbm>>
    %dma_start3A_266 = arith.constant 0 : i32
    %dma_start3A_267 = arith.constant 0 : i32
    %dma_start3A_268 = tpu.memref_slice %arg8[%dma_start3A_251, %dma_start3A_266, %dma_start3A_267] : memref<4x64x128xf32, #tpu.memory_space<vmem>> -> memref<1x64x128xf32, #tpu.memory_space<vmem>>
    %dma_start3A_269 = tpu.memref_squeeze %dma_start3A_268 : memref<1x64x128xf32, #tpu.memory_space<vmem>> -> memref<64x128xf32, #tpu.memory_space<vmem>>
    tpu.enqueue_dma source(%dma_start3A_269 : memref<64x128xf32, #tpu.memory_space<vmem>>) target(%dma_start3A_265 : memref<64x128xf32, #tpu.memory_space<hbm>>) target_semaphore(%dma_start3A_262 : memref<!tpu.dma_semaphore, #tpu.memory_space<semaphore_mem>>)
    %dma_wait3A_270 = arith.constant 3 : i32
    %dma_wait3A_271 = arith.constant 3 : i32
    %dma_wait3A_272 = arith.constant 0 : i32
    %dma_wait3A_273 = arith.constant 0 : i32
    %dma_wait3A_274 = tpu.memref_slice %arg8[%dma_wait3A_270, %dma_wait3A_272, %dma_wait3A_273] : memref<4x64x128xf32, #tpu.memory_space<vmem>> -> memref<1x64x128xf32, #tpu.memory_space<vmem>>
    %dma_wait3A_275 = tpu.memref_squeeze %dma_wait3A_274 : memref<1x64x128xf32, #tpu.memory_space<vmem>> -> memref<64x128xf32, #tpu.memory_space<vmem>>
    %dma_wait3A_276 = arith.constant 192 : i32
    %dma_wait3A_277 = tpu.memref_slice %arg6[%dma_wait3A_276] : memref<256xi32, #tpu.memory_space<vmem>> -> memref<64xi32, #tpu.memory_space<vmem>>
    %dma_wait3A_278 = arith.constant 0 : i32
    %dma_wait3A_279 = arith.constant 0 : i32
    %dma_wait3A_280 = tpu.memref_slice %arg3[%dma_wait3A_278, %dma_wait3A_279] : memref<100000x128xf32, #tpu.memory_space<hbm>> -> memref<100000x128xf32, #tpu.memory_space<hbm>>
    %dma_wait3A_281 = tpu.memref_slice %arg11[%dma_wait3A_271] : memref<4x!tpu.dma_semaphore, #tpu.memory_space<semaphore_mem>> -> memref<1x!tpu.dma_semaphore, #tpu.memory_space<semaphore_mem>>
    %dma_wait3A_282 = tpu.memref_squeeze %dma_wait3A_281 : memref<1x!tpu.dma_semaphore, #tpu.memory_space<semaphore_mem>> -> memref<!tpu.dma_semaphore, #tpu.memory_space<semaphore_mem>>
    tpu.wait_indirect_dma semaphore(%dma_wait3A_282 : memref<!tpu.dma_semaphore, #tpu.memory_space<semaphore_mem>>) src(%dma_wait3A_280 : memref<100000x128xf32, #tpu.memory_space<hbm>>) dst(%dma_wait3A_275 : memref<64x128xf32, #tpu.memory_space<vmem>>)
    %scan3A_283 = arith.constant 0 : i32
    %scan3A_284 = arith.constant 0 : i32
    %scan3A_285 = arith.constant 64 : i32
    %scan3A_286 = arith.addi %scan3A_284, %scan3A_285 : i32
    %scan3A_287 = arith.constant 1 : i32
    scf.for %scan3A_384 = %scan3A_284 to %scan3A_286 step %scan3A_287  : i32 {
      %get3A = arith.constant 3 : i32
      %get3A_385 = arith.index_cast %get3A : i32 to index
      %get3A_386 = arith.index_cast %scan3A_384 : i32 to index
      %get3A_387 = arith.constant 0 : index
      %get3A_388 = tpu.vector_load %arg8[%get3A_385, %get3A_386, %get3A_387] {strides = array<i32>} : memref<4x64x128xf32, #tpu.memory_space<vmem>>, vector<1x1x16xf32>,
      %get3A_389 = vector.shape_cast %get3A_388 : vector<1x1x16xf32> to vector<16xf32>
      %get3A_390 = arith.index_cast %scan3A_384 : i32 to index
      %get3A_391 = arith.constant 0 : index
      %get3A_392 = tpu.vector_load %arg7[%get3A_390, %get3A_391] {strides = array<i32>} : memref<64x128xf32, #tpu.memory_space<vmem>>, vector<1x16xf32>,
      %get3A_393 = vector.shape_cast %get3A_392 : vector<1x16xf32> to vector<16xf32>
      %add3A_394 = arith.addf %get3A_389, %get3A_393 : vector<16xf32>
      %swap3A = arith.constant 3 : i32
      %swap3A_395 = arith.index_cast %swap3A : i32 to index
      %swap3A_396 = arith.index_cast %scan3A_384 : i32 to index
      %swap3A_397 = arith.constant 0 : index
      %swap3A_398 = tpu.vector_load %arg8[%swap3A_395, %swap3A_396, %swap3A_397] {strides = array<i32>} : memref<4x64x128xf32, #tpu.memory_space<vmem>>, vector<1x1x16xf32>,
      %swap3A_399 = vector.shape_cast %swap3A_398 : vector<1x1x16xf32> to vector<16xf32>
      %swap3A_400 = vector.shape_cast %add3A_394 : vector<16xf32> to vector<1x1x16xf32>
      tpu.vector_store %arg8[%swap3A_395, %swap3A_396, %swap3A_397], %swap3A_400 {strides = array<i32>} : memref<4x64x128xf32, #tpu.memory_space<vmem>>, vector<1x1x16xf32>,
      %get3A_401 = arith.constant 3 : i32
      %get3A_402 = arith.index_cast %get3A_401 : i32 to index
      %get3A_403 = arith.index_cast %scan3A_384 : i32 to index
      %get3A_404 = arith.constant 16 : index
      %get3A_405 = tpu.vector_load %arg8[%get3A_402, %get3A_403, %get3A_404] {strides = array<i32>} : memref<4x64x128xf32, #tpu.memory_space<vmem>>, vector<1x1x16xf32>,
      %get3A_406 = vector.shape_cast %get3A_405 : vector<1x1x16xf32> to vector<16xf32>
      %get3A_407 = arith.index_cast %scan3A_384 : i32 to index
      %get3A_408 = arith.constant 16 : index
      %get3A_409 = tpu.vector_load %arg7[%get3A_407, %get3A_408] {strides = array<i32>} : memref<64x128xf32, #tpu.memory_space<vmem>>, vector<1x16xf32>,
      %get3A_410 = vector.shape_cast %get3A_409 : vector<1x16xf32> to vector<16xf32>
      %add3A_411 = arith.addf %get3A_406, %get3A_410 : vector<16xf32>
      %swap3A_412 = arith.constant 3 : i32
      %swap3A_413 = arith.index_cast %swap3A_412 : i32 to index
      %swap3A_414 = arith.index_cast %scan3A_384 : i32 to index
      %swap3A_415 = arith.constant 16 : index
      %swap3A_416 = tpu.vector_load %arg8[%swap3A_413, %swap3A_414, %swap3A_415] {strides = array<i32>} : memref<4x64x128xf32, #tpu.memory_space<vmem>>, vector<1x1x16xf32>,
      %swap3A_417 = vector.shape_cast %swap3A_416 : vector<1x1x16xf32> to vector<16xf32>
      %swap3A_418 = vector.shape_cast %add3A_411 : vector<16xf32> to vector<1x1x16xf32>
      tpu.vector_store %arg8[%swap3A_413, %swap3A_414, %swap3A_415], %swap3A_418 {strides = array<i32>} : memref<4x64x128xf32, #tpu.memory_space<vmem>>, vector<1x1x16xf32>,
      %get3A_419 = arith.constant 3 : i32
      %get3A_420 = arith.index_cast %get3A_419 : i32 to index
      %get3A_421 = arith.index_cast %scan3A_384 : i32 to index
      %get3A_422 = arith.constant 32 : index
      %get3A_423 = tpu.vector_load %arg8[%get3A_420, %get3A_421, %get3A_422] {strides = array<i32>} : memref<4x64x128xf32, #tpu.memory_space<vmem>>, vector<1x1x16xf32>,
      %get3A_424 = vector.shape_cast %get3A_423 : vector<1x1x16xf32> to vector<16xf32>
      %get3A_425 = arith.index_cast %scan3A_384 : i32 to index
      %get3A_426 = arith.constant 32 : index
      %get3A_427 = tpu.vector_load %arg7[%get3A_425, %get3A_426] {strides = array<i32>} : memref<64x128xf32, #tpu.memory_space<vmem>>, vector<1x16xf32>,
      %get3A_428 = vector.shape_cast %get3A_427 : vector<1x16xf32> to vector<16xf32>
      %add3A_429 = arith.addf %get3A_424, %get3A_428 : vector<16xf32>
      %swap3A_430 = arith.constant 3 : i32
      %swap3A_431 = arith.index_cast %swap3A_430 : i32 to index
      %swap3A_432 = arith.index_cast %scan3A_384 : i32 to index
      %swap3A_433 = arith.constant 32 : index
      %swap3A_434 = tpu.vector_load %arg8[%swap3A_431, %swap3A_432, %swap3A_433] {strides = array<i32>} : memref<4x64x128xf32, #tpu.memory_space<vmem>>, vector<1x1x16xf32>,
      %swap3A_435 = vector.shape_cast %swap3A_434 : vector<1x1x16xf32> to vector<16xf32>
      %swap3A_436 = vector.shape_cast %add3A_429 : vector<16xf32> to vector<1x1x16xf32>
      tpu.vector_store %arg8[%swap3A_431, %swap3A_432, %swap3A_433], %swap3A_436 {strides = array<i32>} : memref<4x64x128xf32, #tpu.memory_space<vmem>>, vector<1x1x16xf32>,
      %get3A_437 = arith.constant 3 : i32
      %get3A_438 = arith.index_cast %get3A_437 : i32 to index
      %get3A_439 = arith.index_cast %scan3A_384 : i32 to index
      %get3A_440 = arith.constant 48 : index
      %get3A_441 = tpu.vector_load %arg8[%get3A_438, %get3A_439, %get3A_440] {strides = array<i32>} : memref<4x64x128xf32, #tpu.memory_space<vmem>>, vector<1x1x16xf32>,
      %get3A_442 = vector.shape_cast %get3A_441 : vector<1x1x16xf32> to vector<16xf32>
      %get3A_443 = arith.index_cast %scan3A_384 : i32 to index
      %get3A_444 = arith.constant 48 : index
      %get3A_445 = tpu.vector_load %arg7[%get3A_443, %get3A_444] {strides = array<i32>} : memref<64x128xf32, #tpu.memory_space<vmem>>, vector<1x16xf32>,
      %get3A_446 = vector.shape_cast %get3A_445 : vector<1x16xf32> to vector<16xf32>
      %add3A_447 = arith.addf %get3A_442, %get3A_446 : vector<16xf32>
      %swap3A_448 = arith.constant 3 : i32
      %swap3A_449 = arith.index_cast %swap3A_448 : i32 to index
      %swap3A_450 = arith.index_cast %scan3A_384 : i32 to index
      %swap3A_451 = arith.constant 48 : index
      %swap3A_452 = tpu.vector_load %arg8[%swap3A_449, %swap3A_450, %swap3A_451] {strides = array<i32>} : memref<4x64x128xf32, #tpu.memory_space<vmem>>, vector<1x1x16xf32>,
      %swap3A_453 = vector.shape_cast %swap3A_452 : vector<1x1x16xf32> to vector<16xf32>
      %swap3A_454 = vector.shape_cast %add3A_447 : vector<16xf32> to vector<1x1x16xf32>
      tpu.vector_store %arg8[%swap3A_449, %swap3A_450, %swap3A_451], %swap3A_454 {strides = array<i32>} : memref<4x64x128xf32, #tpu.memory_space<vmem>>, vector<1x1x16xf32>,
      %get3A_455 = arith.constant 3 : i32
      %get3A_456 = arith.index_cast %get3A_455 : i32 to index
      %get3A_457 = arith.index_cast %scan3A_384 : i32 to index
      %get3A_458 = arith.constant 64 : index
      %get3A_459 = tpu.vector_load %arg8[%get3A_456, %get3A_457, %get3A_458] {strides = array<i32>} : memref<4x64x128xf32, #tpu.memory_space<vmem>>, vector<1x1x16xf32>,
      %get3A_460 = vector.shape_cast %get3A_459 : vector<1x1x16xf32> to vector<16xf32>
      %get3A_461 = arith.index_cast %scan3A_384 : i32 to index
      %get3A_462 = arith.constant 64 : index
      %get3A_463 = tpu.vector_load %arg7[%get3A_461, %get3A_462] {strides = array<i32>} : memref<64x128xf32, #tpu.memory_space<vmem>>, vector<1x16xf32>,
      %get3A_464 = vector.shape_cast %get3A_463 : vector<1x16xf32> to vector<16xf32>
      %add3A_465 = arith.addf %get3A_460, %get3A_464 : vector<16xf32>
      %swap3A_466 = arith.constant 3 : i32
      %swap3A_467 = arith.index_cast %swap3A_466 : i32 to index
      %swap3A_468 = arith.index_cast %scan3A_384 : i32 to index
      %swap3A_469 = arith.constant 64 : index
      %swap3A_470 = tpu.vector_load %arg8[%swap3A_467, %swap3A_468, %swap3A_469] {strides = array<i32>} : memref<4x64x128xf32, #tpu.memory_space<vmem>>, vector<1x1x16xf32>,
      %swap3A_471 = vector.shape_cast %swap3A_470 : vector<1x1x16xf32> to vector<16xf32>
      %swap3A_472 = vector.shape_cast %add3A_465 : vector<16xf32> to vector<1x1x16xf32>
      tpu.vector_store %arg8[%swap3A_467, %swap3A_468, %swap3A_469], %swap3A_472 {strides = array<i32>} : memref<4x64x128xf32, #tpu.memory_space<vmem>>, vector<1x1x16xf32>,
      %get3A_473 = arith.constant 3 : i32
      %get3A_474 = arith.index_cast %get3A_473 : i32 to index
      %get3A_475 = arith.index_cast %scan3A_384 : i32 to index
      %get3A_476 = arith.constant 80 : index
      %get3A_477 = tpu.vector_load %arg8[%get3A_474, %get3A_475, %get3A_476] {strides = array<i32>} : memref<4x64x128xf32, #tpu.memory_space<vmem>>, vector<1x1x16xf32>,
      %get3A_478 = vector.shape_cast %get3A_477 : vector<1x1x16xf32> to vector<16xf32>
      %get3A_479 = arith.index_cast %scan3A_384 : i32 to index
      %get3A_480 = arith.constant 80 : index
      %get3A_481 = tpu.vector_load %arg7[%get3A_479, %get3A_480] {strides = array<i32>} : memref<64x128xf32, #tpu.memory_space<vmem>>, vector<1x16xf32>,
      %get3A_482 = vector.shape_cast %get3A_481 : vector<1x16xf32> to vector<16xf32>
      %add3A_483 = arith.addf %get3A_478, %get3A_482 : vector<16xf32>
      %swap3A_484 = arith.constant 3 : i32
      %swap3A_485 = arith.index_cast %swap3A_484 : i32 to index
      %swap3A_486 = arith.index_cast %scan3A_384 : i32 to index
      %swap3A_487 = arith.constant 80 : index
      %swap3A_488 = tpu.vector_load %arg8[%swap3A_485, %swap3A_486, %swap3A_487] {strides = array<i32>} : memref<4x64x128xf32, #tpu.memory_space<vmem>>, vector<1x1x16xf32>,
      %swap3A_489 = vector.shape_cast %swap3A_488 : vector<1x1x16xf32> to vector<16xf32>
      %swap3A_490 = vector.shape_cast %add3A_483 : vector<16xf32> to vector<1x1x16xf32>
      tpu.vector_store %arg8[%swap3A_485, %swap3A_486, %swap3A_487], %swap3A_490 {strides = array<i32>} : memref<4x64x128xf32, #tpu.memory_space<vmem>>, vector<1x1x16xf32>,
      %get3A_491 = arith.constant 3 : i32
      %get3A_492 = arith.index_cast %get3A_491 : i32 to index
      %get3A_493 = arith.index_cast %scan3A_384 : i32 to index
      %get3A_494 = arith.constant 96 : index
      %get3A_495 = tpu.vector_load %arg8[%get3A_492, %get3A_493, %get3A_494] {strides = array<i32>} : memref<4x64x128xf32, #tpu.memory_space<vmem>>, vector<1x1x16xf32>,
      %get3A_496 = vector.shape_cast %get3A_495 : vector<1x1x16xf32> to vector<16xf32>
      %get3A_497 = arith.index_cast %scan3A_384 : i32 to index
      %get3A_498 = arith.constant 96 : index
      %get3A_499 = tpu.vector_load %arg7[%get3A_497, %get3A_498] {strides = array<i32>} : memref<64x128xf32, #tpu.memory_space<vmem>>, vector<1x16xf32>,
      %get3A_500 = vector.shape_cast %get3A_499 : vector<1x16xf32> to vector<16xf32>
      %add3A_501 = arith.addf %get3A_496, %get3A_500 : vector<16xf32>
      %swap3A_502 = arith.constant 3 : i32
      %swap3A_503 = arith.index_cast %swap3A_502 : i32 to index
      %swap3A_504 = arith.index_cast %scan3A_384 : i32 to index
      %swap3A_505 = arith.constant 96 : index
      %swap3A_506 = tpu.vector_load %arg8[%swap3A_503, %swap3A_504, %swap3A_505] {strides = array<i32>} : memref<4x64x128xf32, #tpu.memory_space<vmem>>, vector<1x1x16xf32>,
      %swap3A_507 = vector.shape_cast %swap3A_506 : vector<1x1x16xf32> to vector<16xf32>
      %swap3A_508 = vector.shape_cast %add3A_501 : vector<16xf32> to vector<1x1x16xf32>
      tpu.vector_store %arg8[%swap3A_503, %swap3A_504, %swap3A_505], %swap3A_508 {strides = array<i32>} : memref<4x64x128xf32, #tpu.memory_space<vmem>>, vector<1x1x16xf32>,
      %get3A_509 = arith.constant 3 : i32
      %get3A_510 = arith.index_cast %get3A_509 : i32 to index
      %get3A_511 = arith.index_cast %scan3A_384 : i32 to index
      %get3A_512 = arith.constant 112 : index
      %get3A_513 = tpu.vector_load %arg8[%get3A_510, %get3A_511, %get3A_512] {strides = array<i32>} : memref<4x64x128xf32, #tpu.memory_space<vmem>>, vector<1x1x16xf32>,
      %get3A_514 = vector.shape_cast %get3A_513 : vector<1x1x16xf32> to vector<16xf32>
      %get3A_515 = arith.index_cast %scan3A_384 : i32 to index
      %get3A_516 = arith.constant 112 : index
      %get3A_517 = tpu.vector_load %arg7[%get3A_515, %get3A_516] {strides = array<i32>} : memref<64x128xf32, #tpu.memory_space<vmem>>, vector<1x16xf32>,
      %get3A_518 = vector.shape_cast %get3A_517 : vector<1x16xf32> to vector<16xf32>
      %add3A_519 = arith.addf %get3A_514, %get3A_518 : vector<16xf32>
      %swap3A_520 = arith.constant 3 : i32
      %swap3A_521 = arith.index_cast %swap3A_520 : i32 to index
      %swap3A_522 = arith.index_cast %scan3A_384 : i32 to index
      %swap3A_523 = arith.constant 112 : index
      %swap3A_524 = tpu.vector_load %arg8[%swap3A_521, %swap3A_522, %swap3A_523] {strides = array<i32>} : memref<4x64x128xf32, #tpu.memory_space<vmem>>, vector<1x1x16xf32>,
      %swap3A_525 = vector.shape_cast %swap3A_524 : vector<1x1x16xf32> to vector<16xf32>
      %swap3A_526 = vector.shape_cast %add3A_519 : vector<16xf32> to vector<1x1x16xf32>
      tpu.vector_store %arg8[%swap3A_521, %swap3A_522, %swap3A_523], %swap3A_526 {strides = array<i32>} : memref<4x64x128xf32, #tpu.memory_space<vmem>>, vector<1x1x16xf32>,
    }
    %scan3A_288 = arith.constant 64 : i32
    %dma_start3A_289 = arith.constant 3 : i32
    %dma_start3A_290 = arith.constant 3 : i32
    %dma_start3A_291 = arith.constant 3 : i32
    %dma_start3A_292 = arith.constant 0 : i32
    %dma_start3A_293 = arith.constant 0 : i32
    %dma_start3A_294 = tpu.memref_slice %arg8[%dma_start3A_289, %dma_start3A_292, %dma_start3A_293] : memref<4x64x128xf32, #tpu.memory_space<vmem>> -> memref<1x64x128xf32, #tpu.memory_space<vmem>>
    %dma_start3A_295 = tpu.memref_squeeze %dma_start3A_294 : memref<1x64x128xf32, #tpu.memory_space<vmem>> -> memref<64x128xf32, #tpu.memory_space<vmem>>
    %dma_start3A_296 = arith.constant 0 : i32
    %dma_start3A_297 = tpu.memref_slice %arg5[%dma_start3A_290, %mul3A_2, %dma_start3A_296] : memref<4x2048x128xf32, #tpu.memory_space<hbm>> -> memref<1x64x128xf32, #tpu.memory_space<hbm>>
    %dma_start3A_298 = tpu.memref_squeeze %dma_start3A_297 : memref<1x64x128xf32, #tpu.memory_space<hbm>> -> memref<64x128xf32, #tpu.memory_space<hbm>>
    %dma_start3A_299 = tpu.memref_slice %arg12[%dma_start3A_291] : memref<4x!tpu.dma_semaphore, #tpu.memory_space<semaphore_mem>> -> memref<1x!tpu.dma_semaphore, #tpu.memory_space<semaphore_mem>>
    %dma_start3A_300 = tpu.memref_squeeze %dma_start3A_299 : memref<1x!tpu.dma_semaphore, #tpu.memory_space<semaphore_mem>> -> memref<!tpu.dma_semaphore, #tpu.memory_space<semaphore_mem>>
    %dma_start3A_301 = arith.constant 0 : i32
    %dma_start3A_302 = tpu.memref_slice %arg5[%dma_start3A_290, %mul3A_2, %dma_start3A_301] : memref<4x2048x128xf32, #tpu.memory_space<hbm>> -> memref<1x64x128xf32, #tpu.memory_space<hbm>>
    %dma_start3A_303 = tpu.memref_squeeze %dma_start3A_302 : memref<1x64x128xf32, #tpu.memory_space<hbm>> -> memref<64x128xf32, #tpu.memory_space<hbm>>
    %dma_start3A_304 = arith.constant 0 : i32
    %dma_start3A_305 = arith.constant 0 : i32
    %dma_start3A_306 = tpu.memref_slice %arg8[%dma_start3A_289, %dma_start3A_304, %dma_start3A_305] : memref<4x64x128xf32, #tpu.memory_space<vmem>> -> memref<1x64x128xf32, #tpu.memory_space<vmem>>
    %dma_start3A_307 = tpu.memref_squeeze %dma_start3A_306 : memref<1x64x128xf32, #tpu.memory_space<vmem>> -> memref<64x128xf32, #tpu.memory_space<vmem>>
    tpu.enqueue_dma source(%dma_start3A_307 : memref<64x128xf32, #tpu.memory_space<vmem>>) target(%dma_start3A_303 : memref<64x128xf32, #tpu.memory_space<hbm>>) target_semaphore(%dma_start3A_300 : memref<!tpu.dma_semaphore, #tpu.memory_space<semaphore_mem>>)
    %dma_wait3A_308 = arith.constant 0 : i32
    %dma_wait3A_309 = arith.constant 0 : i32
    %dma_wait3A_310 = arith.constant 0 : i32
    %dma_wait3A_311 = arith.constant 0 : i32
    %dma_wait3A_312 = arith.constant 0 : i32
    %dma_wait3A_313 = tpu.memref_slice %arg8[%dma_wait3A_308, %dma_wait3A_311, %dma_wait3A_312] : memref<4x64x128xf32, #tpu.memory_space<vmem>> -> memref<1x64x128xf32, #tpu.memory_space<vmem>>
    %dma_wait3A_314 = tpu.memref_squeeze %dma_wait3A_313 : memref<1x64x128xf32, #tpu.memory_space<vmem>> -> memref<64x128xf32, #tpu.memory_space<vmem>>
    %dma_wait3A_315 = arith.constant 0 : i32
    %dma_wait3A_316 = tpu.memref_slice %arg5[%dma_wait3A_309, %mul3A_2, %dma_wait3A_315] : memref<4x2048x128xf32, #tpu.memory_space<hbm>> -> memref<1x64x128xf32, #tpu.memory_space<hbm>>
    %dma_wait3A_317 = tpu.memref_squeeze %dma_wait3A_316 : memref<1x64x128xf32, #tpu.memory_space<hbm>> -> memref<64x128xf32, #tpu.memory_space<hbm>>
    %dma_wait3A_318 = tpu.memref_slice %arg12[%dma_wait3A_310] : memref<4x!tpu.dma_semaphore, #tpu.memory_space<semaphore_mem>> -> memref<1x!tpu.dma_semaphore, #tpu.memory_space<semaphore_mem>>
    %dma_wait3A_319 = tpu.memref_squeeze %dma_wait3A_318 : memref<1x!tpu.dma_semaphore, #tpu.memory_space<semaphore_mem>> -> memref<!tpu.dma_semaphore, #tpu.memory_space<semaphore_mem>>
    %dma_wait3A_320 = arith.constant 0 : i32
    %dma_wait3A_321 = tpu.memref_slice %arg5[%dma_wait3A_309, %mul3A_2, %dma_wait3A_320] : memref<4x2048x128xf32, #tpu.memory_space<hbm>> -> memref<1x64x128xf32, #tpu.memory_space<hbm>>
    %dma_wait3A_322 = tpu.memref_squeeze %dma_wait3A_321 : memref<1x64x128xf32, #tpu.memory_space<hbm>> -> memref<64x128xf32, #tpu.memory_space<hbm>>
    %dma_wait3A_323 = arith.constant 0 : i32
    %dma_wait3A_324 = arith.constant 0 : i32
    %dma_wait3A_325 = tpu.memref_slice %arg8[%dma_wait3A_308, %dma_wait3A_323, %dma_wait3A_324] : memref<4x64x128xf32, #tpu.memory_space<vmem>> -> memref<1x64x128xf32, #tpu.memory_space<vmem>>
    %dma_wait3A_326 = tpu.memref_squeeze %dma_wait3A_325 : memref<1x64x128xf32, #tpu.memory_space<vmem>> -> memref<64x128xf32, #tpu.memory_space<vmem>>
    tpu.wait_dma2 semaphore(%dma_wait3A_319 : memref<!tpu.dma_semaphore, #tpu.memory_space<semaphore_mem>>) src(%dma_wait3A_326 : memref<64x128xf32, #tpu.memory_space<vmem>>) dst(%dma_wait3A_322 : memref<64x128xf32, #tpu.memory_space<hbm>>)
    %dma_wait3A_327 = arith.constant 1 : i32
    %dma_wait3A_328 = arith.constant 1 : i32
    %dma_wait3A_329 = arith.constant 1 : i32
    %dma_wait3A_330 = arith.constant 0 : i32
    %dma_wait3A_331 = arith.constant 0 : i32
    %dma_wait3A_332 = tpu.memref_slice %arg8[%dma_wait3A_327, %dma_wait3A_330, %dma_wait3A_331] : memref<4x64x128xf32, #tpu.memory_space<vmem>> -> memref<1x64x128xf32, #tpu.memory_space<vmem>>
    %dma_wait3A_333 = tpu.memref_squeeze %dma_wait3A_332 : memref<1x64x128xf32, #tpu.memory_space<vmem>> -> memref<64x128xf32, #tpu.memory_space<vmem>>
    %dma_wait3A_334 = arith.constant 0 : i32
    %dma_wait3A_335 = tpu.memref_slice %arg5[%dma_wait3A_328, %mul3A_2, %dma_wait3A_334] : memref<4x2048x128xf32, #tpu.memory_space<hbm>> -> memref<1x64x128xf32, #tpu.memory_space<hbm>>
    %dma_wait3A_336 = tpu.memref_squeeze %dma_wait3A_335 : memref<1x64x128xf32, #tpu.memory_space<hbm>> -> memref<64x128xf32, #tpu.memory_space<hbm>>
    %dma_wait3A_337 = tpu.memref_slice %arg12[%dma_wait3A_329] : memref<4x!tpu.dma_semaphore, #tpu.memory_space<semaphore_mem>> -> memref<1x!tpu.dma_semaphore, #tpu.memory_space<semaphore_mem>>
    %dma_wait3A_338 = tpu.memref_squeeze %dma_wait3A_337 : memref<1x!tpu.dma_semaphore, #tpu.memory_space<semaphore_mem>> -> memref<!tpu.dma_semaphore, #tpu.memory_space<semaphore_mem>>
    %dma_wait3A_339 = arith.constant 0 : i32
    %dma_wait3A_340 = tpu.memref_slice %arg5[%dma_wait3A_328, %mul3A_2, %dma_wait3A_339] : memref<4x2048x128xf32, #tpu.memory_space<hbm>> -> memref<1x64x128xf32, #tpu.memory_space<hbm>>
    %dma_wait3A_341 = tpu.memref_squeeze %dma_wait3A_340 : memref<1x64x128xf32, #tpu.memory_space<hbm>> -> memref<64x128xf32, #tpu.memory_space<hbm>>
    %dma_wait3A_342 = arith.constant 0 : i32
    %dma_wait3A_343 = arith.constant 0 : i32
    %dma_wait3A_344 = tpu.memref_slice %arg8[%dma_wait3A_327, %dma_wait3A_342, %dma_wait3A_343] : memref<4x64x128xf32, #tpu.memory_space<vmem>> -> memref<1x64x128xf32, #tpu.memory_space<vmem>>
    %dma_wait3A_345 = tpu.memref_squeeze %dma_wait3A_344 : memref<1x64x128xf32, #tpu.memory_space<vmem>> -> memref<64x128xf32, #tpu.memory_space<vmem>>
    tpu.wait_dma2 semaphore(%dma_wait3A_338 : memref<!tpu.dma_semaphore, #tpu.memory_space<semaphore_mem>>) src(%dma_wait3A_345 : memref<64x128xf32, #tpu.memory_space<vmem>>) dst(%dma_wait3A_341 : memref<64x128xf32, #tpu.memory_space<hbm>>)
    %dma_wait3A_346 = arith.constant 2 : i32
    %dma_wait3A_347 = arith.constant 2 : i32
    %dma_wait3A_348 = arith.constant 2 : i32
    %dma_wait3A_349 = arith.constant 0 : i32
    %dma_wait3A_350 = arith.constant 0 : i32
    %dma_wait3A_351 = tpu.memref_slice %arg8[%dma_wait3A_346, %dma_wait3A_349, %dma_wait3A_350] : memref<4x64x128xf32, #tpu.memory_space<vmem>> -> memref<1x64x128xf32, #tpu.memory_space<vmem>>
    %dma_wait3A_352 = tpu.memref_squeeze %dma_wait3A_351 : memref<1x64x128xf32, #tpu.memory_space<vmem>> -> memref<64x128xf32, #tpu.memory_space<vmem>>
    %dma_wait3A_353 = arith.constant 0 : i32
    %dma_wait3A_354 = tpu.memref_slice %arg5[%dma_wait3A_347, %mul3A_2, %dma_wait3A_353] : memref<4x2048x128xf32, #tpu.memory_space<hbm>> -> memref<1x64x128xf32, #tpu.memory_space<hbm>>
    %dma_wait3A_355 = tpu.memref_squeeze %dma_wait3A_354 : memref<1x64x128xf32, #tpu.memory_space<hbm>> -> memref<64x128xf32, #tpu.memory_space<hbm>>
    %dma_wait3A_356 = tpu.memref_slice %arg12[%dma_wait3A_348] : memref<4x!tpu.dma_semaphore, #tpu.memory_space<semaphore_mem>> -> memref<1x!tpu.dma_semaphore, #tpu.memory_space<semaphore_mem>>
    %dma_wait3A_357 = tpu.memref_squeeze %dma_wait3A_356 : memref<1x!tpu.dma_semaphore, #tpu.memory_space<semaphore_mem>> -> memref<!tpu.dma_semaphore, #tpu.memory_space<semaphore_mem>>
    %dma_wait3A_358 = arith.constant 0 : i32
    %dma_wait3A_359 = tpu.memref_slice %arg5[%dma_wait3A_347, %mul3A_2, %dma_wait3A_358] : memref<4x2048x128xf32, #tpu.memory_space<hbm>> -> memref<1x64x128xf32, #tpu.memory_space<hbm>>
    %dma_wait3A_360 = tpu.memref_squeeze %dma_wait3A_359 : memref<1x64x128xf32, #tpu.memory_space<hbm>> -> memref<64x128xf32, #tpu.memory_space<hbm>>
    %dma_wait3A_361 = arith.constant 0 : i32
    %dma_wait3A_362 = arith.constant 0 : i32
    %dma_wait3A_363 = tpu.memref_slice %arg8[%dma_wait3A_346, %dma_wait3A_361, %dma_wait3A_362] : memref<4x64x128xf32, #tpu.memory_space<vmem>> -> memref<1x64x128xf32, #tpu.memory_space<vmem>>
    %dma_wait3A_364 = tpu.memref_squeeze %dma_wait3A_363 : memref<1x64x128xf32, #tpu.memory_space<vmem>> -> memref<64x128xf32, #tpu.memory_space<vmem>>
    tpu.wait_dma2 semaphore(%dma_wait3A_357 : memref<!tpu.dma_semaphore, #tpu.memory_space<semaphore_mem>>) src(%dma_wait3A_364 : memref<64x128xf32, #tpu.memory_space<vmem>>) dst(%dma_wait3A_360 : memref<64x128xf32, #tpu.memory_space<hbm>>)
    %dma_wait3A_365 = arith.constant 3 : i32
    %dma_wait3A_366 = arith.constant 3 : i32
    %dma_wait3A_367 = arith.constant 3 : i32
    %dma_wait3A_368 = arith.constant 0 : i32
    %dma_wait3A_369 = arith.constant 0 : i32
    %dma_wait3A_370 = tpu.memref_slice %arg8[%dma_wait3A_365, %dma_wait3A_368, %dma_wait3A_369] : memref<4x64x128xf32, #tpu.memory_space<vmem>> -> memref<1x64x128xf32, #tpu.memory_space<vmem>>
    %dma_wait3A_371 = tpu.memref_squeeze %dma_wait3A_370 : memref<1x64x128xf32, #tpu.memory_space<vmem>> -> memref<64x128xf32, #tpu.memory_space<vmem>>
    %dma_wait3A_372 = arith.constant 0 : i32
    %dma_wait3A_373 = tpu.memref_slice %arg5[%dma_wait3A_366, %mul3A_2, %dma_wait3A_372] : memref<4x2048x128xf32, #tpu.memory_space<hbm>> -> memref<1x64x128xf32, #tpu.memory_space<hbm>>
    %dma_wait3A_374 = tpu.memref_squeeze %dma_wait3A_373 : memref<1x64x128xf32, #tpu.memory_space<hbm>> -> memref<64x128xf32, #tpu.memory_space<hbm>>
    %dma_wait3A_375 = tpu.memref_slice %arg12[%dma_wait3A_367] : memref<4x!tpu.dma_semaphore, #tpu.memory_space<semaphore_mem>> -> memref<1x!tpu.dma_semaphore, #tpu.memory_space<semaphore_mem>>
    %dma_wait3A_376 = tpu.memref_squeeze %dma_wait3A_375 : memref<1x!tpu.dma_semaphore, #tpu.memory_space<semaphore_mem>> -> memref<!tpu.dma_semaphore, #tpu.memory_space<semaphore_mem>>
    %dma_wait3A_377 = arith.constant 0 : i32
    %dma_wait3A_378 = tpu.memref_slice %arg5[%dma_wait3A_366, %mul3A_2, %dma_wait3A_377] : memref<4x2048x128xf32, #tpu.memory_space<hbm>> -> memref<1x64x128xf32, #tpu.memory_space<hbm>>
    %dma_wait3A_379 = tpu.memref_squeeze %dma_wait3A_378 : memref<1x64x128xf32, #tpu.memory_space<hbm>> -> memref<64x128xf32, #tpu.memory_space<hbm>>
    %dma_wait3A_380 = arith.constant 0 : i32
    %dma_wait3A_381 = arith.constant 0 : i32
    %dma_wait3A_382 = tpu.memref_slice %arg8[%dma_wait3A_365, %dma_wait3A_380, %dma_wait3A_381] : memref<4x64x128xf32, #tpu.memory_space<vmem>> -> memref<1x64x128xf32, #tpu.memory_space<vmem>>
    %dma_wait3A_383 = tpu.memref_squeeze %dma_wait3A_382 : memref<1x64x128xf32, #tpu.memory_space<vmem>> -> memref<64x128xf32, #tpu.memory_space<vmem>>
    tpu.wait_dma2 semaphore(%dma_wait3A_376 : memref<!tpu.dma_semaphore, #tpu.memory_space<semaphore_mem>>) src(%dma_wait3A_383 : memref<64x128xf32, #tpu.memory_space<vmem>>) dst(%dma_wait3A_379 : memref<64x128xf32, #tpu.memory_space<hbm>>)
    return
  }
}

</mosaic_0001>

<sc_bundles>
// kernel: _embed.3.cloned.1.call-start
scs
__scs_entry_jumppad:
0x0: {  	(pc) =	sbr.rel $0x88, $3  }
0x1: {  	(tag) =	ssettag $0x0;
	lr =	simm.s32 $0x1  }
0x2: {  	[smem:$0x3F9E] =	sst lr;
	_ =	strace $0xD0000000  }
0x3: {  	_ = 	snop  }
0x4: {  	_ = 	snop  }
0x5: {  	_ = 	snop  }
0x6: {  	_ = 	snop  }
0x7: {  	_ = 	snop  }
__scs_overlays_trampoline_lowered:
0x8: {  	[smem:$0x3FAD] =	sst s0  }
0x9: {  	[smem:$0x3FAE] =	sst s1  }
0xa: {  	[smem:$0x3FAF] =	sst s2  }
0xb: {  	[smem:$0x3FB0] =	sst s3  }
0xc: {  	[smem:$0x3FB1] =	sst s4  }
0xd: {  	[smem:$0x3FB2] =	sst s5  }
0xe: {  	[smem:$0x3FB3] =	sst s6  }
0xf: {  	[smem:$0x3FB4] =	sst s7  }
0x10: {  	[smem:$0x3FB5] =	sst s8  }
0x11: {  	[smem:$0x3FB6] =	sst s9;
	s0 =	simm.s32 @!p0 $0x0  }
0x12: {  	s1 =	sld [smem:$0x3F9C];
	s0 =	simm.s32 @p0 $0x1  }
0x13: {  	[smem:$0x3FB7] =	sst s0;
	s0 =	simm.s32 @!p1 $0x0  }
0x14: {  	s2 =	sld [smem:$0x3F9B];
	s0 =	simm.s32 @p1 $0x1  }
0x15: {  	[smem:$0x3FB8] =	sst s0;
	s0 =	simm.s32 @!p2 $0x0  }
0x16: {  	s3 =	sld [smem:$0x3FDB];
	s0 =	simm.s32 @p2 $0x1  }
0x17: {  	s4 =	simm.s32 $0x1BF5;
	[smem:$0x3FBA] =	sst s0  }
0x18: {  	s0 =	sld [smem:$0x3F9D];
	_ =	swait.ge [sflag:s4], $0x0  }
0x19: {  	s7 =	sld [smem:$0x3F9E]  }
0x1a: {  	s8 =	sadd.s32 $0xFFFFE003, lr  }
0x1b: {  	s9 =	sadd.s32 $0xFFFFFEF7, lr;
	s5 =	simm.s32 $0xFFFFFFFF;
	p2 =	slt.u32 s8, $0xFFFFF086  }
0x1c: {  	p1 =	slt.u32 s9, $0xF7A;
	s5 =	simm.s32 @!p2 $0x0  }
0x1d: {  	s5 =	simm.s32 @p1 $0x1;
	p0 =	seq.s32 s7, s2  }
0x1e: {  	s7 =	smul.u32 @!p0 $0xF7A, s2;
	p2 =	seq.s32 @!p0 s5, $0x0  }
0x1f: {  	s9 =	smul.u32 $0xF7A, s1;
	s8 =	simm.s32 @!p0 $0x1BF5;
	p2 =	por !p2, p0  }
0x20: {  	[sflag:s8] =	ssyncset.s32 @!p0 $0xFFFFF086;
	s6 =	sadd.s32 @!p0 s3, s7;
	s7 =	simm.s32 @!p0 $0x108  }
0x21: {  	s3 =	sadd.s32 s3, s9;
	s6 =	sadd.s32 @!p0 $0x88, s6;
	s7 =	simm.s32 @p2 $0x1082  }
0x22: {  	[simem:s7], [sflag:s8] =	dma.local @!p0 [hbm:s6], $0xF7A  }
0x23: {  	s9 =	sor.u32 $0xD0000000, s2;
	s6 =	simm.s32 $0x108;
	_ =	swait.ge @!p0 [sflag:s8], $0x0  }
0x24: {  	s3 =	sadd.s32 $0x88, s3;
	s6 =	simm.s32 @!p1 $0x1082;
	[sflag:s4] =	ssyncset.s32 $0xFFFFF086  }
0x25: {  	[simem:s6], [sflag:s4] =	dma.local [hbm:s3], $0xF7A  }
0x26: {  	[smem:$0x3F9E] =	sst s1;
	(tag) =	ssettag s2;
	_ =	strace s9  }
0x27: {  	s1 =	sld [smem:$0x3FAE]  }
0x28: {  	s2 =	sld [smem:$0x3FAF]  }
0x29: {  	s4 =	sld [smem:$0x3FB1]  }
0x2a: {  	p0 =	seq.s32 s5, $0x0;
	s5 =	sld [smem:$0x3FB2]  }
0x2b: {  	s6 =	sld [smem:$0x3FB3]  }
0x2c: {  	s7 =	sld [smem:$0x3FB4]  }
0x2d: {  	s3 =	simm.s32 $0x108;
	s8 =	sld [smem:$0x3FB5]  }
0x2e: {  	s3 =	simm.s32 @!p0 $0x1082;
	s9 =	sld [smem:$0x3FB6]  }
0x2f: {  	lr =	sadd.s32 s0, s3;
	s0 =	sld [smem:$0x3FAD]  }
0x30: {  	s3 =	sld [smem:$0x3FB0]  }
0x31: {  	[smem:$0x3FB9] =	sst s10  }
0x32: {  	s10 =	sld [smem:$0x3FB7];
	_ =	sdelay $0x3  }
0x33: {  	p0 =	seq.s32 s10, $0x1;
	s10 =	sld [smem:$0x3FB9];
	_ =	sdelay $0x3  }
0x34: {  	[smem:$0x3FB9] =	sst s10  }
0x35: {  	s10 =	sld [smem:$0x3FB8];
	_ =	sdelay $0x3  }
0x36: {  	p1 =	seq.s32 s10, $0x1;
	s10 =	sld [smem:$0x3FB9];
	_ =	sdelay $0x3  }
0x37: {  	[smem:$0x3FB9] =	sst s10  }
0x38: {  	s10 =	sld [smem:$0x3FBA]  }
0x39: {  	_ = 	snop;
	(pc) =	sbr.ind lr, $3  }
0x3a: {  	_ = 	snop  }
0x3b: {  	_ = 	snop  }
0x3c: {  	p2 =	seq.s32 s10, $0x1;
	s10 =	sld [smem:$0x3FB9]  }
0x3d: {  	_ =	shalt  }
0x3e: {  	_ =	shalt  }
0x3f: {  	_ =	shalt  }
0x40: {  	_ =	shalt  }
0x41: {  	_ =	shalt  }
0x42: {  	_ =	shalt  }
0x43: {  	_ =	shalt  }
0x44: {  	_ =	shalt  }
0x45: {  	_ =	shalt  }
0x46: {  	_ =	shalt  }
0x47: {  	_ =	shalt  }
0x48: {  	_ =	shalt  }
0x49: {  	_ =	shalt  }
0x4a: {  	_ =	shalt  }
0x4b: {  	_ =	shalt  }
0x4c: {  	_ =	shalt  }
0x4d: {  	_ =	shalt  }
0x4e: {  	_ =	shalt  }
0x4f: {  	_ =	shalt  }
0x50: {  	_ =	shalt  }
0x51: {  	_ =	shalt  }
0x52: {  	_ =	shalt  }
0x53: {  	_ =	shalt  }
0x54: {  	_ =	shalt  }
0x55: {  	_ =	shalt  }
0x56: {  	_ =	shalt  }
0x57: {  	_ =	shalt  }
0x58: {  	_ =	shalt  }
0x59: {  	_ =	shalt  }
0x5a: {  	_ =	shalt  }
0x5b: {  	_ =	shalt  }
0x5c: {  	_ =	shalt  }
0x5d: {  	_ =	shalt  }
0x5e: {  	_ =	shalt  }
0x5f: {  	_ =	shalt  }
0x60: {  	_ =	shalt  }
0x61: {  	_ =	shalt  }
0x62: {  	_ =	shalt  }
0x63: {  	_ =	shalt  }
0x64: {  	_ =	shalt  }
0x65: {  	_ =	shalt  }
0x66: {  	_ =	shalt  }
0x67: {  	_ =	shalt  }
0x68: {  	_ =	shalt  }
0x69: {  	_ =	shalt  }
0x6a: {  	_ =	shalt  }
0x6b: {  	_ =	shalt  }
0x6c: {  	_ =	shalt  }
0x6d: {  	_ =	shalt  }
0x6e: {  	_ =	shalt  }
0x6f: {  	_ =	shalt  }
0x70: {  	_ =	shalt  }
0x71: {  	_ =	shalt  }
0x72: {  	_ =	shalt  }
0x73: {  	_ =	shalt  }
0x74: {  	_ =	shalt  }
0x75: {  	_ =	shalt  }
0x76: {  	_ =	shalt  }
0x77: {  	_ =	shalt  }
0x78: {  	_ =	shalt  }
0x79: {  	_ =	shalt  }
0x7a: {  	_ =	shalt  }
0x7b: {  	_ =	shalt  }
0x7c: {  	_ =	shalt  }
0x7d: {  	_ =	shalt  }
0x7e: {  	_ =	shalt  }
0x7f: {  	_ =	shalt  }
0x80: {  	_ =	shalt  }
0x81: {  	_ =	shalt  }
0x82: {  	_ =	shalt  }
0x83: {  	_ =	shalt  }
0x84: {  	_ =	shalt  }
0x85: {  	_ =	shalt  }
0x86: {  	_ =	shalt  }
0x87: {  	_ =	shalt  }
.Lfunc_end0:
.L_simem_size_0:
called_computation_lowered:
.L_overlay_start_0:
0x88: {  	s2 =	sld [smem:$0x3FD9]  }
0x89: {  	s3 =	sld [smem:$0x3FFE];
	_ =	sdelay $0x1  }
0x8a: {  	s1 =	srdreg.scid  }
0x8b: {  	s0 =	sand.u32 $0x1, s1  }
0x8c: {  	s18 =	sshll.u32 s0, $0xA;
	s2 =	sadd.s32 s3, s2  }
0x8d: {  	s2 =	sadd.s32 s2, s18  }
0x8e: {  	[smem:$0x3FC5] =	sst s2  }
0x8f: {  	_ = 	snop  }
0x90: {  	s2 =	sld [smem:$0x3FC9]  }
0x91: {  	s19 =	sld [smem:$0x3FC8]  }
0x92: {  	s4 =	sld [smem:$0x3FC7]  }
0x93: {  	s5 =	sld [smem:$0x3FD0];
	(tm) =	ssettm $0x1  }
0x94: {  	s6 =	sld [smem:$0x3FFB];
	_ =	sdelay $0x3  }
0x95: {  	_ =	strace s6  }
0x96: {  	s6 =	sld [smem:$0x3FFC];
	_ =	sdelay $0x3  }
0x97: {  	_ =	strace s6  }
0x98: {  	s6 =	sld [smem:$0x3FFD];
	_ =	sdelay $0x3  }
0x99: {  	_ =	strace s6  }
0x9a: {  	_ =	strace $0x8FFFFFFF  }
0x9b: {  	s20 =	sld [smem:$0x3FDB];
	_ =	sdelay $0x1  }
0x9c: {  	s7 =	simm.s32 $_scs_section_size  }
0x9d: {  	s8 =	simm.s32 $_size__tile_overlayer_lowered;
	s9 =	simm.s32 $_tile_overlayer_lowered  }
0x9e: {  	s23 =	simm.s32 $0x1BFF;
	s22 =	sshll.u32 s9, $0x1;
	s6 =	sadd.s32 s7, s20  }
0x9f: {  	s10 =	simm.s32 $0x0;
	s21 =	sshll.u32 s8, $0x1;
	s8 =	sadd.s32 s22, s6  }
0xa0: {  	[timem:s10], [sflag:s23] =	dma.local [hbm:s8], s21  }
0xa1: {  	_ =	swait.ge [sflag:s23], s21  }
0xa2: {  	s7 =	ssub.s32 $0x0, s21;
	[sflag:s23] =	ssyncset.done $0x0  }
0xa3: {  	[sflag:s23] =	ssyncadd.s32 s7;
	_ =	sdelay $0x1  }
0xa4: {  	s24 =	simm.s32 $0x1B8B  }
0xa5: {  	_ =	swait.ge [sflag:s24], $0x1  }
0xa6: {  	[sflag:s24] =	ssyncset.done $0x0  }
0xa7: {  	s25 =	simm.s32 $0x1B8E;
	[sflag:s24] =	ssyncadd.s32 $0xFFFFFFFF  }
0xa8: {  	s26 =	simm.s32 $execute0_lowered;
	[smem:$0x3FD2] =	sst s25  }
0xa9: {  	s7 =	sshll.u32 s26, $0x1;
	_ =	strace $0x80000046;
	[dreg:$0x1] =	wrdreg $0xFFFFFFFF  }
0xaa: {  	s28 =	simm.s32 $_size_execute0_lowered;
	s6 =	sadd.s32 s6, s7;
	[dreg:$0x0] =	wrdreg $0x0  }
0xab: {  	s7 =	sshll.u32 s28, $0x1;
	[dreg:$0x2] =	wrdreg s6  }
0xac: {  	[dreg:$0x3] =	wrdreg s7  }
0xad: {  	[dreg:$0x4] =	wrdreg $0xC0  }
0xae: {  	_ =	task [dreg:s10], $0x5FFFF  }
0xaf: {  	[dreg:$0x1] =	wrdreg $0xFFFFFFFF  }
0xb0: {  	[dreg:$0x0] =	wrdreg $0x60  }
0xb1: {  	[dreg:$0x2] =	wrdreg s2  }
0xb2: {  	[dreg:$0x3] =	wrdreg s19  }
0xb3: {  	[dreg:$0x4] =	wrdreg s4  }
0xb4: {  	[dreg:$0x5] =	wrdreg s5  }
0xb5: {  	[dreg:$0x6] =	wrdreg $0x9  }
0xb6: {  	_ =	task.clear_ibuf [dreg:s10], $0x7FFFF;
	_ =	strace $0x90000046  }
0xb7: {  	s29 =	simm.s32 $0x9;
	_ =	strace $0x80000048  }
0xb8: {  	_ =	swait.ge [sflag:s29], $0x1  }
0xb9: {  	[sflag:s29] =	ssyncadd.s32 $0xFFFFFFFF  }
0xba: {  	_ =	strace $0x90000048  }
0xbb: {  	_ =	sfence  }
0xbc: {  	s30 =	sld [smem:$0x0];
	_ =	sdelay $0x2  }
0xbd: {  	s31 =	sshll.u32 s1, $0xD;
	s1 =	sshrl.u32 s1, $0x2  }
0xbe: {  	s3 =	sand.u32 $0x4000, s31;
	s1 =	sadd.s32 s1, s30  }
0xbf: {  	s0 =	sor.u32 s3, s0;
	s1 =	sshll.u32 s1, $0x11  }
0xc0: {  	s0 =	sor.u32 s1, s0  }
0xc1: {  	s0 =	sadd.s32 $0x8F2B, s0  }
0xc2: {  	[sflag:s0] =	ssyncadd.remote.s32 $0x1  }
0xc3: {  	_ =	sfence.sel $0xFFFF  }
0xc4: {  	[dreg:$0x0] =	wrdreg $0xFFFFFFFF;
	(pc) =	sbr.abs _section_cstart, $3  }
0xc5: {  	[dreg:$0x1] =	wrdreg $0xFFFFFFFF  }
0xc6: {  	_ =	task.clear_ibuf [dreg:s10], $0x2FFFF;
	_ =	strace $0x9FFFFFFF  }
0xc7: {  	(tm) =	ssettm $0x7FFFFFFF  }
tec
execute0_lowered:
.L_overlay_start_1:
0x0: {  	(tag) =	ssettag $0x1  }
0x1: {  	s2 =	rddreg [dreg:$0x0]  }
0x2: {  	s1 =	rddreg [dreg:$0x1]  }
0x3: {  	s0 =	srdreg.scid;
	s6 =	rddreg [dreg:$0x2]  }
0x4: {  	s3 =	stileid.u32;
	s8 =	rddreg [dreg:$0x3]  }
0x5: {  	s14 =	simm.s32 $0x40;
	s18 =	simm.s32 $0x1;
	s19 =	simm.s32 $0x2100  }
0x6: {  	s20 =	simm.s32 $0x2;
	s21 =	simm.s32 $0x4100;
	s22 =	simm.s32 $0x3  }
0x7: {  	s23 =	simm.s32 $0x6100;
	s24 =	simm.s32 $0x4;
	s28 =	simm.s32 $0x6  }
0x8: {  	s29 =	simm.s32 $0x7;
	s30 =	simm.s32 $0x8;
	s0 =	sand.u32 $0x1, s0  }
0x9: {  	s31 =	simm.s32 $0x9;
	s3 =	sshll.u32 s3, $0x7;
	s5 =	sshll.u32 s0, $0x6  }
0xa: {  	s17 =	simm.s32 $0xC;
	s0 =	ssub.s32 $0x2, s0;
	s7 =	sor.u32 s5, s3  }
0xb: {  	s3 =	simm.s32 $0x0;
	s10 =	sshrl.u32 s0, $0x1;
	s9 =	sshll.u32 s7, $0x2  }
0xc: {  	[smem:$0x7FF] =	sst s3;
	s0 =	ssub.s32 s0, s10;
	s7 =	sshll.u32 s7, $0x4  }
0xd: {  	s4 =	sand.u32 $0x1E00, s9;
	_ =	strace $0x80000047;
	s8 =	sadd.s32 s8, s7  }
0xe: {  	s13 =	smax.u32 s0, $0x1;
	s0 =	simm.s32 $0xB;
	s4 =	sor.u32 s5, s4  }
0xf: {  	s5 =	sor.u32 s5, s9;
	s10 =	sadd.s32 $0x8000, s8;
	s4 =	sshrl.u32 s4, $0x3  }
0x10: {  	s11 =	sadd.s32 $0x10000, s8;
	s5 =	sshrl.u32 s5, $0x3;
	s4 =	sadd.s32 s2, s4  }
0x11: {  	s12 =	sadd.s32 $0x18000, s8;
	s26 =	sor.u32 $0x20, s5;
	s25 =	sadd.s32 $0x10, s4  }
0x12: {  	s5 =	sor.u32 $0x30, s5;
	s9 =	sadd.s32 s2, s26;
	[dreg:$0x5] =	wrdreg s25  }
0x13: {  	s2 =	sadd.s32 s2, s5;
	s26 =	simm.s32 $0x5;
	[dreg:$0x6] =	wrdreg s9  }
0x14: {  	s5 =	simm.s32 $0xD;
	[dreg:$0x7] =	wrdreg s2;
	s9 =	sadd.s32 s6, s7  }
0x15: {  	s25 =	simm.s32 $0x8100;
	s2 =	simm.s32 $0xA;
	s6 =	simm.s32 $0x0  }
.LBB2_1:
0x16: {  	[tilespmem:s3], [sflag:$0x1] =	stream.linear.gather [hbm4b:s4+s3], $0x40, $0x38;
	[tilespmem:$0xA100] =	vst v63  }
0x17: {  	s7 =	rddreg [dreg:$0x5]  }
0x18: {  	[tilespmem:s14], [sflag:$0x2] =	stream.linear.gather [hbm4b:s7+s3], $0x40, $0x38;
	[tilespmem:$0xA100] =	vst v63  }
0x19: {  	s16 =	rddreg [dreg:$0x6];
	s15 =	simm.s32 $0x80  }
0x1a: {  	[tilespmem:s15], [sflag:$0x3] =	stream.linear.gather [hbm4b:s16+s3], $0x40, $0x38;
	[tilespmem:$0xA100] =	vst v63  }
0x1b: {  	s7 =	rddreg [dreg:$0x7];
	s16 =	simm.s32 $0xC0  }
0x1c: {  	[tilespmem:s16], [sflag:$0x4] =	stream.linear.gather [hbm4b:s7+s3], $0x40, $0x38;
	[tilespmem:$0xA100] =	vst v63  }
0x1d: {  	s7 =	simm.s32 $0x100  }
0x1e: {  	[tilespmem:s7], [sflag:$0x5] =	stream.linear.gather [hbm4b:s9+s3], $0x2000, $0x38;
	[tilespmem:$0xA100] =	vst v63  }
0x1f: {  	_ =	swait.ge [sflag:s18], $0x40  }
0x20: {  	[sflag:s18] =	ssyncset.done $0x0  }
0x21: {  	[sflag:s18] =	ssyncadd.s32 $0xFFFFFFC0  }
0x22: {  	[tilespmem:s19], [sflag:$0x6] =	stream.indirect.gather [hbm4b:s1+s14], $0x80, s3, s14, $0xb8;
	[tilespmem:$0xA100] =	vst v63  }
0x23: {  	_ =	swait.ge [sflag:s20], $0x40  }
0x24: {  	[sflag:s20] =	ssyncset.done $0x0  }
0x25: {  	[sflag:s20] =	ssyncadd.s32 $0xFFFFFFC0  }
0x26: {  	[tilespmem:s21], [sflag:$0x7] =	stream.indirect.gather [hbm4b:s1+s14], $0x80, s14, s14, $0xb8;
	[tilespmem:$0xA100] =	vst v63  }
0x27: {  	_ =	swait.ge [sflag:s22], $0x40  }
0x28: {  	[sflag:s22] =	ssyncset.done $0x0  }
0x29: {  	[sflag:s22] =	ssyncadd.s32 $0xFFFFFFC0  }
0x2a: {  	[tilespmem:s23], [sflag:$0x8] =	stream.indirect.gather [hbm4b:s1+s14], $0x80, s15, s14, $0xb8;
	[tilespmem:$0xA100] =	vst v63  }
0x2b: {  	_ =	swait.ge [sflag:s24], $0x40  }
0x2c: {  	[sflag:s24] =	ssyncset.done $0x0  }
0x2d: {  	[sflag:s24] =	ssyncadd.s32 $0xFFFFFFC0  }
0x2e: {  	[tilespmem:s25], [sflag:$0x9] =	stream.indirect.gather [hbm4b:s1+s14], $0x80, s16, s14, $0xb8;
	[tilespmem:$0xA100] =	vst v63  }
0x2f: {  	_ =	swait.ge [sflag:s26], $0x2000  }
0x30: {  	[sflag:s26] =	ssyncset.done $0x0  }
0x31: {  	[sflag:s26] =	ssyncadd.s32 $0xFFFFE000  }
0x32: {  	_ =	swait.ge [sflag:s28], $0x2000  }
0x33: {  	[sflag:s28] =	ssyncset.done $0x0  }
0x34: {  	s7 =	simm.s32 $0x0;
	[sflag:s28] =	ssyncadd.s32 $0xFFFFE000  }
0x35: {  	v7 =	vld [tilespmem:s7+$0x100]  }
0x36: {  	v11 =	vld [tilespmem:s7+$0x110]  }
0x37: {  	v5 =	vld [tilespmem:s7+$0x120]  }
0x38: {  	v4 =	vld [tilespmem:s7+$0x130]  }
0x39: {  	v3 =	vld [tilespmem:s7+$0x140]  }
0x3a: {  	v2 =	vld [tilespmem:s7+$0x150]  }
0x3b: {  	v1 =	vld [tilespmem:s7+$0x160]  }
0x3c: {  	v0 =	vld [tilespmem:s7+$0x170]  }
0x3d: {  	v12 =	vld [tilespmem:s7+$0x2100]  }
0x3e: {  	v13 =	vld [tilespmem:s7+$0x2110]  }
0x3f: {  	v10 =	vld [tilespmem:s7+$0x2120]  }
0x40: {  	v9 =	vld [tilespmem:s7+$0x2130]  }
0x41: {  	v8 =	vld [tilespmem:s7+$0x2140]  }
0x42: {  	v6 =	vld [tilespmem:s7+$0x2150];
	v12 =	vadd.f32 v7, v12  }
0x43: {  	s15 =	simm.s32 $0x200;
	v11 =	vadd.f32 v11, v13;
	v7 =	vld [tilespmem:s7+$0x2160]  }
.LBB2_2:
0x44: {  	s16 =	sshra.s32 s15, $0x2;
	p0 =	sne.s32 s15, $0x7E00;
	[tilespmem:s7+$0x2100] =	vst v12;
	v5 =	vadd.f32 v5, v10;
	v10 =	vld [tilespmem:s7+$0x2170]  }
0x45: {  	v12 =	vld [tilespmem:s16+$0x100];
	[tilespmem:s7+$0x2110] =	vst v11;
	v4 =	vadd.f32 v4, v9  }
0x46: {  	v11 =	vld [tilespmem:s16+$0x110];
	[tilespmem:s7+$0x2120] =	vst v5;
	v3 =	vadd.f32 v3, v8  }
0x47: {  	v5 =	vld [tilespmem:s16+$0x120];
	[tilespmem:s7+$0x2130] =	vst v4;
	v2 =	vadd.f32 v2, v6  }
0x48: {  	v4 =	vld [tilespmem:s16+$0x130];
	[tilespmem:s7+$0x2140] =	vst v3;
	v1 =	vadd.f32 v1, v7  }
0x49: {  	v3 =	vld [tilespmem:s16+$0x140];
	[tilespmem:s7+$0x2150] =	vst v2;
	v0 =	vadd.f32 v0, v10  }
0x4a: {  	v2 =	vld [tilespmem:s16+$0x150];
	[tilespmem:s7+$0x2160] =	vst v1  }
0x4b: {  	v1 =	vld [tilespmem:s16+$0x160];
	[tilespmem:s7+$0x2170] =	vst v0;
	s7 =	smov.u32 s16  }
0x4c: {  	v0 =	vld [tilespmem:s7+$0x170]  }
0x4d: {  	v6 =	vld [tilespmem:s7+$0x2100]  }
0x4e: {  	v7 =	vld [tilespmem:s7+$0x2110]  }
.Ltmp0:
0x4f: {  	v10 =	vld [tilespmem:s7+$0x2120];
	(pc) =	sbr.rel @p0 .LBB2_2-.Ltmp0, $4  }
0x50: {  	v9 =	vld [tilespmem:s7+$0x2130]  }
0x51: {  	v8 =	vld [tilespmem:s7+$0x2140]  }
0x52: {  	v12 =	vadd.f32 v12, v6;
	v6 =	vld [tilespmem:s7+$0x2150]  }
0x53: {  	s15 =	sadd.s32 $0x200, s15;
	v11 =	vadd.f32 v11, v7;
	v7 =	vld [tilespmem:s7+$0x2160]  }
0x54: {  	[tilespmem:s7+$0x2100] =	vst v12;
	v5 =	vadd.f32 v5, v10;
	v10 =	vld [tilespmem:s7+$0x2170]  }
0x55: {  	[tilespmem:s7+$0x2110] =	vst v11;
	v4 =	vadd.f32 v4, v9  }
0x56: {  	[tilespmem:s7+$0x2120] =	vst v5;
	v3 =	vadd.f32 v3, v8  }
0x57: {  	[tilespmem:s7+$0x2130] =	vst v4;
	v2 =	vadd.f32 v2, v6  }
0x58: {  	[tilespmem:s7+$0x2140] =	vst v3;
	v1 =	vadd.f32 v1, v7  }
0x59: {  	[tilespmem:s7+$0x2150] =	vst v2;
	v0 =	vadd.f32 v0, v10  }
0x5a: {  	[tilespmem:s7+$0x2160] =	vst v1  }
0x5b: {  	s16 =	simm.s32 $0x0;
	[tilespmem:s7+$0x2170] =	vst v0  }
0x5c: {  	[hbm4b:s8+s16] =	stream.linear.scatter [tilespmem:s19], [sflag:$0xA], $0x2000, $0x38;
	[tilespmem:$0xA100] =	vst v63  }
0x5d: {  	_ =	swait.ge [sflag:s29], $0x2000  }
0x5e: {  	[sflag:s29] =	ssyncset.done $0x0  }
0x5f: {  	s7 =	simm.s32 $0x0;
	[sflag:s29] =	ssyncadd.s32 $0xFFFFE000  }
0x60: {  	v7 =	vld [tilespmem:s7+$0x100]  }
0x61: {  	v11 =	vld [tilespmem:s7+$0x110]  }
0x62: {  	v5 =	vld [tilespmem:s7+$0x120]  }
0x63: {  	v4 =	vld [tilespmem:s7+$0x130]  }
0x64: {  	v3 =	vld [tilespmem:s7+$0x140]  }
0x65: {  	v2 =	vld [tilespmem:s7+$0x150]  }
0x66: {  	v1 =	vld [tilespmem:s7+$0x160]  }
0x67: {  	v0 =	vld [tilespmem:s7+$0x170]  }
0x68: {  	v12 =	vld [tilespmem:s7+$0x4100]  }
0x69: {  	v13 =	vld [tilespmem:s7+$0x4110]  }
0x6a: {  	v10 =	vld [tilespmem:s7+$0x4120]  }
0x6b: {  	v9 =	vld [tilespmem:s7+$0x4130]  }
0x6c: {  	v8 =	vld [tilespmem:s7+$0x4140]  }
0x6d: {  	v6 =	vld [tilespmem:s7+$0x4150];
	v12 =	vadd.f32 v7, v12  }
0x6e: {  	s15 =	simm.s32 $0x200;
	v11 =	vadd.f32 v11, v13;
	v7 =	vld [tilespmem:s7+$0x4160]  }
.LBB2_4:
0x6f: {  	s16 =	sshra.s32 s15, $0x2;
	p0 =	sne.s32 s15, $0x7E00;
	[tilespmem:s7+$0x4100] =	vst v12;
	v5 =	vadd.f32 v5, v10;
	v10 =	vld [tilespmem:s7+$0x4170]  }
0x70: {  	v12 =	vld [tilespmem:s16+$0x100];
	[tilespmem:s7+$0x4110] =	vst v11;
	v4 =	vadd.f32 v4, v9  }
0x71: {  	v11 =	vld [tilespmem:s16+$0x110];
	[tilespmem:s7+$0x4120] =	vst v5;
	v3 =	vadd.f32 v3, v8  }
0x72: {  	v5 =	vld [tilespmem:s16+$0x120];
	[tilespmem:s7+$0x4130] =	vst v4;
	v2 =	vadd.f32 v2, v6  }
0x73: {  	v4 =	vld [tilespmem:s16+$0x130];
	[tilespmem:s7+$0x4140] =	vst v3;
	v1 =	vadd.f32 v1, v7  }
0x74: {  	v3 =	vld [tilespmem:s16+$0x140];
	[tilespmem:s7+$0x4150] =	vst v2;
	v0 =	vadd.f32 v0, v10  }
0x75: {  	v2 =	vld [tilespmem:s16+$0x150];
	[tilespmem:s7+$0x4160] =	vst v1  }
0x76: {  	v1 =	vld [tilespmem:s16+$0x160];
	[tilespmem:s7+$0x4170] =	vst v0;
	s7 =	smov.u32 s16  }
0x77: {  	v0 =	vld [tilespmem:s7+$0x170]  }
0x78: {  	v6 =	vld [tilespmem:s7+$0x4100]  }
0x79: {  	v7 =	vld [tilespmem:s7+$0x4110]  }
.Ltmp1:
0x7a: {  	v10 =	vld [tilespmem:s7+$0x4120];
	(pc) =	sbr.rel @p0 .LBB2_4-.Ltmp1, $4  }
0x7b: {  	v9 =	vld [tilespmem:s7+$0x4130]  }
0x7c: {  	v8 =	vld [tilespmem:s7+$0x4140]  }
0x7d: {  	v12 =	vadd.f32 v12, v6;
	v6 =	vld [tilespmem:s7+$0x4150]  }
0x7e: {  	s15 =	sadd.s32 $0x200, s15;
	v11 =	vadd.f32 v11, v7;
	v7 =	vld [tilespmem:s7+$0x4160]  }
0x7f: {  	[tilespmem:s7+$0x4100] =	vst v12;
	v5 =	vadd.f32 v5, v10;
	v10 =	vld [tilespmem:s7+$0x4170]  }
0x80: {  	[tilespmem:s7+$0x4110] =	vst v11;
	v4 =	vadd.f32 v4, v9  }
0x81: {  	[tilespmem:s7+$0x4120] =	vst v5;
	v3 =	vadd.f32 v3, v8  }
0x82: {  	[tilespmem:s7+$0x4130] =	vst v4;
	v2 =	vadd.f32 v2, v6  }
0x83: {  	[tilespmem:s7+$0x4140] =	vst v3;
	v1 =	vadd.f32 v1, v7  }
0x84: {  	[tilespmem:s7+$0x4150] =	vst v2;
	v0 =	vadd.f32 v0, v10  }
0x85: {  	[tilespmem:s7+$0x4160] =	vst v1  }
0x86: {  	s16 =	simm.s32 $0x0;
	[tilespmem:s7+$0x4170] =	vst v0  }
0x87: {  	[hbm4b:s10+s16] =	stream.linear.scatter [tilespmem:s21], [sflag:$0xB], $0x2000, $0x38;
	[tilespmem:$0xA100] =	vst v63  }
0x88: {  	_ =	swait.ge [sflag:s30], $0x2000  }
0x89: {  	[sflag:s30] =	ssyncset.done $0x0  }
0x8a: {  	s7 =	simm.s32 $0x0;
	[sflag:s30] =	ssyncadd.s32 $0xFFFFE000  }
0x8b: {  	v7 =	vld [tilespmem:s7+$0x100]  }
0x8c: {  	v11 =	vld [tilespmem:s7+$0x110]  }
0x8d: {  	v5 =	vld [tilespmem:s7+$0x120]  }
0x8e: {  	v4 =	vld [tilespmem:s7+$0x130]  }
0x8f: {  	v3 =	vld [tilespmem:s7+$0x140]  }
0x90: {  	v2 =	vld [tilespmem:s7+$0x150]  }
0x91: {  	v1 =	vld [tilespmem:s7+$0x160]  }
0x92: {  	v0 =	vld [tilespmem:s7+$0x170]  }
0x93: {  	v12 =	vld [tilespmem:s7+$0x6100]  }
0x94: {  	v13 =	vld [tilespmem:s7+$0x6110]  }
0x95: {  	v10 =	vld [tilespmem:s7+$0x6120]  }
0x96: {  	v9 =	vld [tilespmem:s7+$0x6130]  }
0x97: {  	v8 =	vld [tilespmem:s7+$0x6140]  }
0x98: {  	v6 =	vld [tilespmem:s7+$0x6150];
	v12 =	vadd.f32 v7, v12  }
0x99: {  	s15 =	simm.s32 $0x200;
	v11 =	vadd.f32 v11, v13;
	v7 =	vld [tilespmem:s7+$0x6160]  }
.LBB2_6:
0x9a: {  	s16 =	sshra.s32 s15, $0x2;
	p0 =	sne.s32 s15, $0x7E00;
	[tilespmem:s7+$0x6100] =	vst v12;
	v5 =	vadd.f32 v5, v10;
	v10 =	vld [tilespmem:s7+$0x6170]  }
0x9b: {  	v12 =	vld [tilespmem:s16+$0x100];
	[tilespmem:s7+$0x6110] =	vst v11;
	v4 =	vadd.f32 v4, v9  }
0x9c: {  	v11 =	vld [tilespmem:s16+$0x110];
	[tilespmem:s7+$0x6120] =	vst v5;
	v3 =	vadd.f32 v3, v8  }
0x9d: {  	v5 =	vld [tilespmem:s16+$0x120];
	[tilespmem:s7+$0x6130] =	vst v4;
	v2 =	vadd.f32 v2, v6  }
0x9e: {  	v4 =	vld [tilespmem:s16+$0x130];
	[tilespmem:s7+$0x6140] =	vst v3;
	v1 =	vadd.f32 v1, v7  }
0x9f: {  	v3 =	vld [tilespmem:s16+$0x140];
	[tilespmem:s7+$0x6150] =	vst v2;
	v0 =	vadd.f32 v0, v10  }
0xa0: {  	v2 =	vld [tilespmem:s16+$0x150];
	[tilespmem:s7+$0x6160] =	vst v1  }
0xa1: {  	v1 =	vld [tilespmem:s16+$0x160];
	[tilespmem:s7+$0x6170] =	vst v0;
	s7 =	smov.u32 s16  }
0xa2: {  	v0 =	vld [tilespmem:s7+$0x170]  }
0xa3: {  	v6 =	vld [tilespmem:s7+$0x6100]  }
0xa4: {  	v7 =	vld [tilespmem:s7+$0x6110]  }
.Ltmp2:
0xa5: {  	v10 =	vld [tilespmem:s7+$0x6120];
	(pc) =	sbr.rel @p0 .LBB2_6-.Ltmp2, $4  }
0xa6: {  	v9 =	vld [tilespmem:s7+$0x6130]  }
0xa7: {  	v8 =	vld [tilespmem:s7+$0x6140]  }
0xa8: {  	v12 =	vadd.f32 v12, v6;
	v6 =	vld [tilespmem:s7+$0x6150]  }
0xa9: {  	s15 =	sadd.s32 $0x200, s15;
	v11 =	vadd.f32 v11, v7;
	v7 =	vld [tilespmem:s7+$0x6160]  }
0xaa: {  	[tilespmem:s7+$0x6100] =	vst v12;
	v5 =	vadd.f32 v5, v10;
	v10 =	vld [tilespmem:s7+$0x6170]  }
0xab: {  	[tilespmem:s7+$0x6110] =	vst v11;
	v4 =	vadd.f32 v4, v9  }
0xac: {  	[tilespmem:s7+$0x6120] =	vst v5;
	v3 =	vadd.f32 v3, v8  }
0xad: {  	[tilespmem:s7+$0x6130] =	vst v4;
	v2 =	vadd.f32 v2, v6  }
0xae: {  	[tilespmem:s7+$0x6140] =	vst v3;
	v1 =	vadd.f32 v1, v7  }
0xaf: {  	[tilespmem:s7+$0x6150] =	vst v2;
	v0 =	vadd.f32 v0, v10  }
0xb0: {  	[tilespmem:s7+$0x6160] =	vst v1  }
0xb1: {  	s16 =	simm.s32 $0x0;
	[tilespmem:s7+$0x6170] =	vst v0  }
0xb2: {  	[hbm4b:s11+s16] =	stream.linear.scatter [tilespmem:s23], [sflag:$0xC], $0x2000, $0x38;
	[tilespmem:$0xA100] =	vst v63  }
0xb3: {  	_ =	swait.ge [sflag:s31], $0x2000  }
0xb4: {  	[sflag:s31] =	ssyncset.done $0x0  }
0xb5: {  	s7 =	simm.s32 $0x0;
	[sflag:s31] =	ssyncadd.s32 $0xFFFFE000  }
0xb6: {  	v7 =	vld [tilespmem:s7+$0x100]  }
0xb7: {  	v11 =	vld [tilespmem:s7+$0x110]  }
0xb8: {  	v5 =	vld [tilespmem:s7+$0x120]  }
0xb9: {  	v4 =	vld [tilespmem:s7+$0x130]  }
0xba: {  	v3 =	vld [tilespmem:s7+$0x140]  }
0xbb: {  	v2 =	vld [tilespmem:s7+$0x150]  }
0xbc: {  	v1 =	vld [tilespmem:s7+$0x160]  }
0xbd: {  	v0 =	vld [tilespmem:s7+$0x170]  }
0xbe: {  	v12 =	vld [tilespmem:s7+$0x8100]  }
0xbf: {  	v13 =	vld [tilespmem:s7+$0x8110]  }
0xc0: {  	v10 =	vld [tilespmem:s7+$0x8120]  }
0xc1: {  	v9 =	vld [tilespmem:s7+$0x8130]  }
0xc2: {  	v8 =	vld [tilespmem:s7+$0x8140]  }
0xc3: {  	v6 =	vld [tilespmem:s7+$0x8150];
	v12 =	vadd.f32 v7, v12  }
0xc4: {  	s15 =	simm.s32 $0x200;
	v11 =	vadd.f32 v11, v13;
	v7 =	vld [tilespmem:s7+$0x8160]  }
.LBB2_8:
0xc5: {  	s16 =	sshra.s32 s15, $0x2;
	p0 =	sne.s32 s15, $0x7E00;
	[tilespmem:s7+$0x8100] =	vst v12;
	v5 =	vadd.f32 v5, v10;
	v10 =	vld [tilespmem:s7+$0x8170]  }
0xc6: {  	v12 =	vld [tilespmem:s16+$0x100];
	[tilespmem:s7+$0x8110] =	vst v11;
	v4 =	vadd.f32 v4, v9  }
0xc7: {  	v11 =	vld [tilespmem:s16+$0x110];
	[tilespmem:s7+$0x8120] =	vst v5;
	v3 =	vadd.f32 v3, v8  }
0xc8: {  	v5 =	vld [tilespmem:s16+$0x120];
	[tilespmem:s7+$0x8130] =	vst v4;
	v2 =	vadd.f32 v2, v6  }
0xc9: {  	v4 =	vld [tilespmem:s16+$0x130];
	[tilespmem:s7+$0x8140] =	vst v3;
	v1 =	vadd.f32 v1, v7  }
0xca: {  	v3 =	vld [tilespmem:s16+$0x140];
	[tilespmem:s7+$0x8150] =	vst v2;
	v0 =	vadd.f32 v0, v10  }
0xcb: {  	v2 =	vld [tilespmem:s16+$0x150];
	[tilespmem:s7+$0x8160] =	vst v1  }
0xcc: {  	v1 =	vld [tilespmem:s16+$0x160];
	[tilespmem:s7+$0x8170] =	vst v0;
	s7 =	smov.u32 s16  }
0xcd: {  	v0 =	vld [tilespmem:s7+$0x170]  }
0xce: {  	v6 =	vld [tilespmem:s7+$0x8100]  }
0xcf: {  	v7 =	vld [tilespmem:s7+$0x8110]  }
.Ltmp3:
0xd0: {  	v10 =	vld [tilespmem:s7+$0x8120];
	(pc) =	sbr.rel @p0 .LBB2_8-.Ltmp3, $4  }
0xd1: {  	v9 =	vld [tilespmem:s7+$0x8130]  }
0xd2: {  	v8 =	vld [tilespmem:s7+$0x8140]  }
0xd3: {  	v12 =	vadd.f32 v12, v6;
	v6 =	vld [tilespmem:s7+$0x8150]  }
0xd4: {  	s15 =	sadd.s32 $0x200, s15;
	v11 =	vadd.f32 v11, v7;
	v7 =	vld [tilespmem:s7+$0x8160]  }
0xd5: {  	[tilespmem:s7+$0x8100] =	vst v12;
	v5 =	vadd.f32 v5, v10;
	v63 =	vld [tilespmem:s7+$0x8170]  }
0xd6: {  	[tilespmem:s7+$0x8110] =	vst v11;
	v4 =	vadd.f32 v4, v9  }
0xd7: {  	[tilespmem:s7+$0x8120] =	vst v5;
	v3 =	vadd.f32 v3, v8  }
0xd8: {  	[tilespmem:s7+$0x8130] =	vst v4;
	v2 =	vadd.f32 v2, v6  }
0xd9: {  	[tilespmem:s7+$0x8140] =	vst v3;
	v1 =	vadd.f32 v1, v7  }
0xda: {  	[tilespmem:s7+$0x8150] =	vst v2;
	v0 =	vadd.f32 v0, v63  }
0xdb: {  	[tilespmem:s7+$0x8160] =	vst v1  }
0xdc: {  	[tilespmem:s7+$0x8170] =	vst v0  }
0xdd: {  	[hbm4b:s12+s3] =	stream.linear.scatter [tilespmem:s25], [sflag:$0xD], $0x2000, $0x38;
	[tilespmem:$0xA100] =	vst v63  }
0xde: {  	_ =	swait.ge [sflag:s2], $0x2000  }
0xdf: {  	[sflag:s2] =	ssyncset.done $0x0  }
0xe0: {  	[sflag:s2] =	ssyncadd.s32 $0xFFFFE000  }
0xe1: {  	_ =	swait.ge [sflag:s0], $0x2000  }
0xe2: {  	[sflag:s0] =	ssyncset.done $0x0  }
0xe3: {  	s6 =	sadd.s32 $0x1, s6;
	[sflag:s0] =	ssyncadd.s32 $0xFFFFE000  }
0xe4: {  	p0 =	sne.s32 s6, s13;
	_ =	swait.ge [sflag:s17], $0x2000  }
.Ltmp4:
0xe5: {  	[sflag:s17] =	ssyncset.done $0x0;
	(pc) =	sbr.rel @p0 .LBB2_1-.Ltmp4, $4  }
0xe6: {  	[sflag:s17] =	ssyncadd.s32 $0xFFFFE000  }
0xe7: {  	_ =	swait.ge [sflag:s5], $0x2000  }
0xe8: {  	[sflag:s5] =	ssyncset.done $0x0  }
0xe9: {  	[sflag:s5] =	ssyncadd.s32 $0xFFFFE000  }
0xea: {  	_ =	sfence.sel $0x180000  }
0xeb: {  	[bflag:$0x0] =	sbarrier.arrive $0xFFFF  }
0xec: {  	_ =	strace $0x90000047  }
0xed: {  	s0 =	stileid.u32;
	[bflag:$0x2] =	sbarrier.arrive $0xFFFF  }
0xee: {  	p0 =	sne.s32 s0, $0x0;
	s0 =	rddreg [dreg:$0x4]  }
0xef: {  	s0 =	sadd.s32 @!p0 $0x100000, s0  }
0xf0: {  	[sflag:s0] =	ssyncadd.tile.s32 @!p0 $0x1;
	_ =	shalt  }
.Lfunc_end2:
_tile_overlayer_lowered:
.L_overlay_start_2:
0xf1: {  	(tag) =	ssettag $0x2  }
0xf2: {  	s0 =	rddreg [dreg:$0x0];
	s2 =	stileid.u32  }
0xf3: {  	s1 =	rddreg [dreg:$0x1];
	p0 =	sne.s32 s2, $0x0  }
0xf4: {  	s3 =	rddreg [dreg:$0x2];
	[bflag:$0x3] =	sbarrier.arrive $0xFFFF;
	s2 =	simm.s32 @!p0 $0x1C0E  }
0xf5: {  	[timem:s3], [sflag:s2] =	dma.local @!p0 [hbm:s0], s1  }
0xf6: {  	s0 =	simm.s32 @!p0 $0xE  }
0xf7: {  	_ =	swait.ge @!p0 [sflag:s0], s1  }
0xf8: {  	s1 =	ssub.s32 @!p0 $0x0, s1;
	[sflag:s0] =	ssyncset.done @!p0 $0x0  }
0xf9: {  	[sflag:s0] =	ssyncadd.s32 @!p0 s1  }
0xfa: {  	[bflag:$0x3] =	sbarrier.arrive $0xFFFF  }
0xfb: {  	_ =	shalt  }

</sc_bundles>
